<compile_context>
chip_gen: v7x
topology: tpu7x:2x2x1
jax: 0.10.2.dev20260603
libtpu: 0.0.44.dev20260713+nightly
codegen_flags: <defaults>
</compile_context>

<pallas_src>
import functools

import jax
import jax.numpy as jnp
import numpy as np
from jax import lax
from jax.experimental import pallas as pl
from jax.experimental.pallas import tpu as pltpu
from jax.experimental.pallas import tpu_sc as plsc

_ALPHA = 0.5
_TAU = 0.1
_KS = 128
_NC = 2
_NS = 16
_NW = _NC * _NS
_LANES = 16
_BW = 2048


def _sampling_constants(n: int):
    with jax.ensure_compile_time_eval():
        cpu = jax.local_devices(backend="cpu")[0]
        with jax.default_device(cpu):
            j_vals = jnp.arange(n, dtype=jnp.float32)
            log_probs = -(1.0 + _ALPHA - _TAU) * jnp.log(n - j_vals + 1e-08)
            probs = jnp.exp(log_probs - jax.nn.logsumexp(log_probs))
            idx = jax.random.choice(jax.random.key(1), n, shape=(_KS,),
                                    replace=False, p=probs)
            idx = idx.astype(jnp.int32)
            jf = idx.astype(jnp.float32)
            true_w = jnp.power(n - jf + 1e-08, -(1.0 + _ALPHA))
            samp_p = jnp.power(n - jf + 1e-08, -(1.0 + _ALPHA - _TAU))
            w = true_w / (samp_p + 1e-08)
            hist = (n - 1 - idx).astype(jnp.int32)
            return np.asarray(hist, np.int32), np.asarray(w, np.float32)


_CONST_CACHE = {}


def _consts(n: int):
    if n not in _CONST_CACHE:
        _CONST_CACHE[n] = _sampling_constants(n)
    return _CONST_CACHE[n]


def _make_sc_reduce(b: int, n: int, hist, w, wsum: float):
    rpw = b // _NW
    hist_l = [int(v) for v in hist]
    w_l = [float(v) for v in w]
    mesh = plsc.VectorSubcoreMesh(core_axis_name="c", subcore_axis_name="s",
                                  num_cores=_NC, num_subcores=_NS)

    @functools.partial(
        pl.kernel,
        out_type=jax.ShapeDtypeStruct((b, _LANES), jnp.float32),
        mesh=mesh,
        scratch_types=[
            pltpu.VMEM((rpw * n,), jnp.float32),
            pltpu.VMEM((_LANES,), jnp.float32),
            pltpu.SemaphoreType.DMA,
        ],
        compiler_params=pltpu.CompilerParams(needs_layout_passes=False),
    )
    def sc_reduce(x2, out, rows_v, res_v, sem):
        cid = lax.axis_index("c")
        sid = lax.axis_index("s")
        wid = sid * _NC + cid
        row0 = wid * rpw
        cps = [
            pltpu.async_copy(x2.at[row0 + rl],
                             rows_v.at[pl.ds(rl * n, n)], sem)
            for rl in range(rpw)
        ]
        lane = lax.iota(jnp.int32, _LANES)
        ivecs, wvecs = [], []
        for j in range(_KS // _LANES):
            ivv = jnp.zeros((_LANES,), jnp.int32)
            wvv = jnp.zeros((_LANES,), jnp.float32)
            for i in range(_LANES):
                ivv = jnp.where(lane == i, hist_l[j * _LANES + i], ivv)
                wvv = jnp.where(lane == i, w_l[j * _LANES + i], wvv)
            ivecs.append(ivv)
            wvecs.append(wvv)
        for rl in range(rpw):
            cps[rl].wait()
            acc = jnp.zeros((_LANES,), jnp.float32)
            for j in range(_KS // _LANES):
                vals16 = plsc.load_gather(rows_v, [ivecs[j] + (rl * n)])
                acc = acc + wvecs[j] * vals16
            dot = jnp.sum(acc)
            cur = rows_v[pl.ds(rl * n + n - _LANES, _LANES)][_LANES - 1]
            res = (cur * wsum - dot) * (1.0 / _KS)
            res_v[...] = jnp.where(lane == _LANES - 1, res, 0.0)
            pltpu.sync_copy(res_v, out.at[row0 + rl])

    return sc_reduce


def _tc_zeros_body(o_ref, z_ref, sem):
    z_ref[...] = jnp.zeros_like(z_ref)
    nblk = o_ref.shape[1] // _BW
    cps = [
        pltpu.make_async_copy(z_ref, o_ref.at[:, pl.ds(j * _BW, _BW)], sem)
        for j in range(nblk)
    ]
    for cp in cps:
        cp.start()
    for cp in cps:
        cp.wait()


def _make_tc_zeros(b: int, n: int):
    return pl.pallas_call(
        _tc_zeros_body,
        out_specs=pl.BlockSpec(memory_space=pl.ANY),
        out_shape=jax.ShapeDtypeStruct((b, n), jnp.float32),
        scratch_shapes=[
            pltpu.VMEM((b, _BW), jnp.float32),
            pltpu.SemaphoreType.DMA,
        ],
    )


def kernel(x):
    b, n = x.shape
    hist, w = _consts(n)
    upd = _make_sc_reduce(b, n, hist, w, float(w.sum()))(x)
    zeros = _make_tc_zeros(b, n)()
    return lax.dynamic_update_slice(zeros, upd, (0, n - _LANES))

# --- scband reference (transcript-rebuilt; emitter-appended) ---
"""Pipeline reference for scband-stochastic-fractional-layer-18098992185605 (READ-ONLY COPY).

The authoritative reference and input builder live on the scoring server;
editing this copy changes nothing except your own understanding.
"""

import jax, jax.numpy as jnp
import numpy as np

ALPHA = 0.5
TAU = 0.1
K = 128


def setup_inputs(seed: int = 0) -> dict:
    key = jax.random.key(seed)
    x = jax.random.normal(key, (64, 32768), dtype=jnp.float32)
    return {"x": x}


def _sample_indices(n: int, k: int):
    # ImportanceSampler.sample_indices: p(j) ~ (n-j)^{-(1+alpha-tau)}
    j_vals = jnp.arange(n, dtype=jnp.float32)
    log_probs = -(1.0 + ALPHA - TAU) * jnp.log(n - j_vals + 1e-08)
    probs = jnp.exp(log_probs - jax.nn.logsumexp(log_probs))
    # torch.multinomial(probs, k, replacement=False) analogue
    idx = jax.random.choice(jax.random.key(1), n, shape=(k,), replace=False, p=probs)
    return idx.astype(jnp.int64)


def _compute_weights(indices, n: int):
    j_vals = indices.astype(jnp.float32)
    true_weights = jnp.power(n - j_vals + 1e-08, -(1.0 + ALPHA))
    sampling_probs = jnp.power(n - j_vals + 1e-08, -(1.0 + ALPHA - TAU))
    return true_weights / (sampling_probs + 1e-08)


def reference(x) -> jnp.ndarray:
    batch_size, n = x.shape
    indices = _sample_indices(n, K)
    weights = _compute_weights(indices, n)
    current_val = x[:, -1]
    history_indices = n - 1 - indices
    sampled_vals = jnp.take(x, history_indices, axis=1)
    differences = current_val[:, None] - sampled_vals
    weighted_diffs = differences * weights[None, :]
    weighted_sum = weighted_diffs.sum(axis=1)
    result_val = weighted_sum / indices.shape[0]
    zeros_part = jnp.zeros((batch_size, n - 1), dtype=x.dtype)
    output = jnp.concatenate([zeros_part, result_val[:, None]], axis=1)
    return output

if __name__ == "__main__":
    import jax
    _d = setup_inputs()
    print(jax.jit(kernel)(*tuple(_d.values())))

</pallas_src>

<mosaic_0001>
#map = affine_map<(d0, d1) -> (0, 0)>
module attributes {stable_mosaic.version = 14 : i64} {
  func.func @sc_reduce(%arg0: i32, %arg1: i32, %arg2: memref<64x32768xf32, #tpu.memory_space<hbm>>, %arg3: memref<64x16xf32, #tpu.memory_space<hbm>>, %arg4: memref<65536xf32, #tpu.memory_space<vmem>>, %arg5: memref<16xf32, #tpu.memory_space<vmem>>, %arg6: memref<!tpu.dma_semaphore, #tpu.memory_space<semaphore_mem>>) attributes {dimension_semantics = [#tpu.dimension_semantics<core_parallel>, #tpu.dimension_semantics<subcore_parallel>], iteration_bounds = array<i64: 2, 16>, scalar_prefetch = 0 : i64, scratch_operands = 3 : i64, tpu.core_type = #tpu.core_type<sc_vector_subcore>, window_params = [{transform_indices = #map}, {transform_indices = #map}]} {
    %mul3A = arith.constant 2 : i32
    %mul3A_0 = arith.muli %arg1, %mul3A : i32
    %add3A = arith.addi %mul3A_0, %arg0 : i32
    %mul3A_1 = arith.constant 2 : i32
    %mul3A_2 = arith.muli %add3A, %mul3A_1 : i32
    %add3A_3 = arith.constant 0 : i32
    %add3A_4 = arith.addi %mul3A_2, %add3A_3 : i32
    %dma_start3A = arith.constant 0 : i32
    %dma_start3A_5 = tpu.memref_slice %arg4[%dma_start3A] : memref<65536xf32, #tpu.memory_space<vmem>> -> memref<32768xf32, #tpu.memory_space<vmem>>
    %dma_start3A_6 = arith.constant 0 : i32
    %dma_start3A_7 = tpu.memref_slice %arg2[%add3A_4, %dma_start3A_6] : memref<64x32768xf32, #tpu.memory_space<hbm>> -> memref<1x32768xf32, #tpu.memory_space<hbm>>
    %dma_start3A_8 = tpu.memref_squeeze %dma_start3A_7 : memref<1x32768xf32, #tpu.memory_space<hbm>> -> memref<32768xf32, #tpu.memory_space<hbm>>
    %dma_start3A_9 = arith.constant 0 : i32
    %dma_start3A_10 = tpu.memref_slice %arg4[%dma_start3A_9] : memref<65536xf32, #tpu.memory_space<vmem>> -> memref<32768xf32, #tpu.memory_space<vmem>>
    %dma_start3A_11 = arith.constant 0 : i32
    %dma_start3A_12 = tpu.memref_slice %arg2[%add3A_4, %dma_start3A_11] : memref<64x32768xf32, #tpu.memory_space<hbm>> -> memref<1x32768xf32, #tpu.memory_space<hbm>>
    %dma_start3A_13 = tpu.memref_squeeze %dma_start3A_12 : memref<1x32768xf32, #tpu.memory_space<hbm>> -> memref<32768xf32, #tpu.memory_space<hbm>>
    tpu.enqueue_dma source(%dma_start3A_13 : memref<32768xf32, #tpu.memory_space<hbm>>) target(%dma_start3A_10 : memref<32768xf32, #tpu.memory_space<vmem>>) target_semaphore(%arg6 : memref<!tpu.dma_semaphore, #tpu.memory_space<semaphore_mem>>)
    %add3A_14 = arith.constant 1 : i32
    %add3A_15 = arith.addi %mul3A_2, %add3A_14 : i32
    %dma_start3A_16 = arith.constant 32768 : i32
    %dma_start3A_17 = tpu.memref_slice %arg4[%dma_start3A_16] : memref<65536xf32, #tpu.memory_space<vmem>> -> memref<32768xf32, #tpu.memory_space<vmem>>
    %dma_start3A_18 = arith.constant 0 : i32
    %dma_start3A_19 = tpu.memref_slice %arg2[%add3A_15, %dma_start3A_18] : memref<64x32768xf32, #tpu.memory_space<hbm>> -> memref<1x32768xf32, #tpu.memory_space<hbm>>
    %dma_start3A_20 = tpu.memref_squeeze %dma_start3A_19 : memref<1x32768xf32, #tpu.memory_space<hbm>> -> memref<32768xf32, #tpu.memory_space<hbm>>
    %dma_start3A_21 = arith.constant 32768 : i32
    %dma_start3A_22 = tpu.memref_slice %arg4[%dma_start3A_21] : memref<65536xf32, #tpu.memory_space<vmem>> -> memref<32768xf32, #tpu.memory_space<vmem>>
    %dma_start3A_23 = arith.constant 0 : i32
    %dma_start3A_24 = tpu.memref_slice %arg2[%add3A_15, %dma_start3A_23] : memref<64x32768xf32, #tpu.memory_space<hbm>> -> memref<1x32768xf32, #tpu.memory_space<hbm>>
    %dma_start3A_25 = tpu.memref_squeeze %dma_start3A_24 : memref<1x32768xf32, #tpu.memory_space<hbm>> -> memref<32768xf32, #tpu.memory_space<hbm>>
    tpu.enqueue_dma source(%dma_start3A_25 : memref<32768xf32, #tpu.memory_space<hbm>>) target(%dma_start3A_22 : memref<32768xf32, #tpu.memory_space<vmem>>) target_semaphore(%arg6 : memref<!tpu.dma_semaphore, #tpu.memory_space<semaphore_mem>>)
    %iota3A = tpu.iota {dimensions = array<i32: 0>} : vector<16xi32>
    %broadcast_in_dim3A = arith.constant 0 : i32
    %broadcast_in_dim3A_26 = vector.broadcast %broadcast_in_dim3A : i32 to vector<16xi32>
    %broadcast_in_dim3A_27 = arith.constant 0.000000e+00 : f32
    %broadcast_in_dim3A_28 = vector.broadcast %broadcast_in_dim3A_27 : f32 to vector<16xf32>
    %eq3A = arith.constant 0 : i32
    %eq3A_29 = vector.broadcast %eq3A : i32 to vector<16xi32>
    %eq3A_30 = arith.cmpi eq, %iota3A, %eq3A_29 : vector<16xi32>
    %jit3A = arith.constant 18 : i32
    %broadcast_in_dim3A_31 = vector.broadcast %jit3A : i32 to vector<16xi32>
    %select_n3A = arith.select %eq3A_30, %broadcast_in_dim3A_31, %broadcast_in_dim3A_26 : vector<16xi1>, vector<16xi32>
    %eq3A_32 = arith.constant 0 : i32
    %eq3A_33 = vector.broadcast %eq3A_32 : i32 to vector<16xi32>
    %eq3A_34 = arith.cmpi eq, %iota3A, %eq3A_33 : vector<16xi32>
    %jit3A_35 = arith.constant 0.744945228 : f32
    %broadcast_in_dim3A_36 = vector.broadcast %jit3A_35 : f32 to vector<16xf32>
    %select_n3A_37 = arith.select %eq3A_34, %broadcast_in_dim3A_36, %broadcast_in_dim3A_28 : vector<16xi1>, vector<16xf32>
    %eq3A_38 = arith.constant 1 : i32
    %eq3A_39 = vector.broadcast %eq3A_38 : i32 to vector<16xi32>
    %eq3A_40 = arith.cmpi eq, %iota3A, %eq3A_39 : vector<16xi32>
    %jit3A_41 = arith.constant 1 : i32
    %broadcast_in_dim3A_42 = vector.broadcast %jit3A_41 : i32 to vector<16xi32>
    %select_n3A_43 = arith.select %eq3A_40, %broadcast_in_dim3A_42, %select_n3A : vector<16xi1>, vector<16xi32>
    %eq3A_44 = arith.constant 1 : i32
    %eq3A_45 = vector.broadcast %eq3A_44 : i32 to vector<16xi32>
    %eq3A_46 = arith.cmpi eq, %iota3A, %eq3A_45 : vector<16xi32>
    %jit3A_47 = arith.constant 0.933032989 : f32
    %broadcast_in_dim3A_48 = vector.broadcast %jit3A_47 : f32 to vector<16xf32>
    %select_n3A_49 = arith.select %eq3A_46, %broadcast_in_dim3A_48, %select_n3A_37 : vector<16xi1>, vector<16xf32>
    %eq3A_50 = arith.constant 2 : i32
    %eq3A_51 = vector.broadcast %eq3A_50 : i32 to vector<16xi32>
    %eq3A_52 = arith.cmpi eq, %iota3A, %eq3A_51 : vector<16xi32>
    %jit3A_53 = arith.constant 74 : i32
    %broadcast_in_dim3A_54 = vector.broadcast %jit3A_53 : i32 to vector<16xi32>
    %select_n3A_55 = arith.select %eq3A_52, %broadcast_in_dim3A_54, %select_n3A_43 : vector<16xi1>, vector<16xi32>
    %eq3A_56 = arith.constant 2 : i32
    %eq3A_57 = vector.broadcast %eq3A_56 : i32 to vector<16xi32>
    %eq3A_58 = arith.cmpi eq, %iota3A, %eq3A_57 : vector<16xi32>
    %jit3A_59 = arith.constant 0.649369657 : f32
    %broadcast_in_dim3A_60 = vector.broadcast %jit3A_59 : f32 to vector<16xf32>
    %select_n3A_61 = arith.select %eq3A_58, %broadcast_in_dim3A_60, %select_n3A_49 : vector<16xi1>, vector<16xf32>
    %eq3A_62 = arith.constant 3 : i32
    %eq3A_63 = vector.broadcast %eq3A_62 : i32 to vector<16xi32>
    %eq3A_64 = arith.cmpi eq, %iota3A, %eq3A_63 : vector<16xi32>
    %jit3A_65 = arith.constant 0 : i32
    %broadcast_in_dim3A_66 = vector.broadcast %jit3A_65 : i32 to vector<16xi32>
    %select_n3A_67 = arith.select %eq3A_64, %broadcast_in_dim3A_66, %select_n3A_55 : vector<16xi1>, vector<16xi32>
    %eq3A_68 = arith.constant 3 : i32
    %eq3A_69 = vector.broadcast %eq3A_68 : i32 to vector<16xi32>
    %eq3A_70 = arith.cmpi eq, %iota3A, %eq3A_69 : vector<16xi32>
    %jit3A_71 = arith.constant 1.000000e+00 : f32
    %broadcast_in_dim3A_72 = vector.broadcast %jit3A_71 : f32 to vector<16xf32>
    %select_n3A_73 = arith.select %eq3A_70, %broadcast_in_dim3A_72, %select_n3A_61 : vector<16xi1>, vector<16xf32>
    %eq3A_74 = arith.constant 4 : i32
    %eq3A_75 = vector.broadcast %eq3A_74 : i32 to vector<16xi32>
    %eq3A_76 = arith.cmpi eq, %iota3A, %eq3A_75 : vector<16xi32>
    %jit3A_77 = arith.constant 6 : i32
    %broadcast_in_dim3A_78 = vector.broadcast %jit3A_77 : i32 to vector<16xi32>
    %select_n3A_79 = arith.select %eq3A_76, %broadcast_in_dim3A_78, %select_n3A_67 : vector<16xi1>, vector<16xi32>
    %eq3A_80 = arith.constant 4 : i32
    %eq3A_81 = vector.broadcast %eq3A_80 : i32 to vector<16xi32>
    %eq3A_82 = arith.cmpi eq, %iota3A, %eq3A_81 : vector<16xi32>
    %jit3A_83 = arith.constant 0.823171138 : f32
    %broadcast_in_dim3A_84 = vector.broadcast %jit3A_83 : f32 to vector<16xf32>
    %select_n3A_85 = arith.select %eq3A_82, %broadcast_in_dim3A_84, %select_n3A_73 : vector<16xi1>, vector<16xf32>
    %eq3A_86 = arith.constant 5 : i32
    %eq3A_87 = vector.broadcast %eq3A_86 : i32 to vector<16xi32>
    %eq3A_88 = arith.cmpi eq, %iota3A, %eq3A_87 : vector<16xi32>
    %jit3A_89 = arith.constant 66 : i32
    %broadcast_in_dim3A_90 = vector.broadcast %jit3A_89 : i32 to vector<16xi32>
    %select_n3A_91 = arith.select %eq3A_88, %broadcast_in_dim3A_90, %select_n3A_79 : vector<16xi1>, vector<16xi32>
    %eq3A_92 = arith.constant 5 : i32
    %eq3A_93 = vector.broadcast %eq3A_92 : i32 to vector<16xi32>
    %eq3A_94 = arith.cmpi eq, %iota3A, %eq3A_93 : vector<16xi32>
    %jit3A_95 = arith.constant 0.656736135 : f32
    %broadcast_in_dim3A_96 = vector.broadcast %jit3A_95 : f32 to vector<16xf32>
    %select_n3A_97 = arith.select %eq3A_94, %broadcast_in_dim3A_96, %select_n3A_85 : vector<16xi1>, vector<16xf32>
    %eq3A_98 = arith.constant 6 : i32
    %eq3A_99 = vector.broadcast %eq3A_98 : i32 to vector<16xi32>
    %eq3A_100 = arith.cmpi eq, %iota3A, %eq3A_99 : vector<16xi32>
    %jit3A_101 = arith.constant 5 : i32
    %broadcast_in_dim3A_102 = vector.broadcast %jit3A_101 : i32 to vector<16xi32>
    %select_n3A_103 = arith.select %eq3A_100, %broadcast_in_dim3A_102, %select_n3A_91 : vector<16xi1>, vector<16xi32>
    %eq3A_104 = arith.constant 6 : i32
    %eq3A_105 = vector.broadcast %eq3A_104 : i32 to vector<16xi32>
    %eq3A_106 = arith.cmpi eq, %iota3A, %eq3A_105 : vector<16xi32>
    %jit3A_107 = arith.constant 0.835958719 : f32
    %broadcast_in_dim3A_108 = vector.broadcast %jit3A_107 : f32 to vector<16xf32>
    %select_n3A_109 = arith.select %eq3A_106, %broadcast_in_dim3A_108, %select_n3A_97 : vector<16xi1>, vector<16xf32>
    %eq3A_110 = arith.constant 7 : i32
    %eq3A_111 = vector.broadcast %eq3A_110 : i32 to vector<16xi32>
    %eq3A_112 = arith.cmpi eq, %iota3A, %eq3A_111 : vector<16xi32>
    %jit3A_113 = arith.constant 106 : i32
    %broadcast_in_dim3A_114 = vector.broadcast %jit3A_113 : i32 to vector<16xi32>
    %select_n3A_115 = arith.select %eq3A_112, %broadcast_in_dim3A_114, %select_n3A_103 : vector<16xi1>, vector<16xi32>
    %eq3A_116 = arith.constant 7 : i32
    %eq3A_117 = vector.broadcast %eq3A_116 : i32 to vector<16xi32>
    %eq3A_118 = arith.cmpi eq, %iota3A, %eq3A_117 : vector<16xi32>
    %jit3A_119 = arith.constant 0.626698315 : f32
    %broadcast_in_dim3A_120 = vector.broadcast %jit3A_119 : f32 to vector<16xf32>
    %select_n3A_121 = arith.select %eq3A_118, %broadcast_in_dim3A_120, %select_n3A_109 : vector<16xi1>, vector<16xf32>
    %eq3A_122 = arith.constant 8 : i32
    %eq3A_123 = vector.broadcast %eq3A_122 : i32 to vector<16xi32>
    %eq3A_124 = arith.cmpi eq, %iota3A, %eq3A_123 : vector<16xi32>
    %jit3A_125 = arith.constant 44 : i32
    %broadcast_in_dim3A_126 = vector.broadcast %jit3A_125 : i32 to vector<16xi32>
    %select_n3A_127 = arith.select %eq3A_124, %broadcast_in_dim3A_126, %select_n3A_115 : vector<16xi1>, vector<16xi32>
    %eq3A_128 = arith.constant 8 : i32
    %eq3A_129 = vector.broadcast %eq3A_128 : i32 to vector<16xi32>
    %eq3A_130 = arith.cmpi eq, %iota3A, %eq3A_129 : vector<16xi32>
    %jit3A_131 = arith.constant 0.683404505 : f32
    %broadcast_in_dim3A_132 = vector.broadcast %jit3A_131 : f32 to vector<16xf32>
    %select_n3A_133 = arith.select %eq3A_130, %broadcast_in_dim3A_132, %select_n3A_121 : vector<16xi1>, vector<16xf32>
    %eq3A_134 = arith.constant 9 : i32
    %eq3A_135 = vector.broadcast %eq3A_134 : i32 to vector<16xi32>
    %eq3A_136 = arith.cmpi eq, %iota3A, %eq3A_135 : vector<16xi32>
    %jit3A_137 = arith.constant 129 : i32
    %broadcast_in_dim3A_138 = vector.broadcast %jit3A_137 : i32 to vector<16xi32>
    %select_n3A_139 = arith.select %eq3A_136, %broadcast_in_dim3A_138, %select_n3A_127 : vector<16xi1>, vector<16xi32>
    %eq3A_140 = arith.constant 9 : i32
    %eq3A_141 = vector.broadcast %eq3A_140 : i32 to vector<16xi32>
    %eq3A_142 = arith.cmpi eq, %iota3A, %eq3A_141 : vector<16xi32>
    %jit3A_143 = arith.constant 0.614612877 : f32
    %broadcast_in_dim3A_144 = vector.broadcast %jit3A_143 : f32 to vector<16xf32>
    %select_n3A_145 = arith.select %eq3A_142, %broadcast_in_dim3A_144, %select_n3A_133 : vector<16xi1>, vector<16xf32>
    %eq3A_146 = arith.constant 10 : i32
    %eq3A_147 = vector.broadcast %eq3A_146 : i32 to vector<16xi32>
    %eq3A_148 = arith.cmpi eq, %iota3A, %eq3A_147 : vector<16xi32>
    %jit3A_149 = arith.constant 189 : i32
    %broadcast_in_dim3A_150 = vector.broadcast %jit3A_149 : i32 to vector<16xi32>
    %select_n3A_151 = arith.select %eq3A_148, %broadcast_in_dim3A_150, %select_n3A_139 : vector<16xi1>, vector<16xi32>
    %eq3A_152 = arith.constant 10 : i32
    %eq3A_153 = vector.broadcast %eq3A_152 : i32 to vector<16xi32>
    %eq3A_154 = arith.cmpi eq, %iota3A, %eq3A_153 : vector<16xi32>
    %jit3A_155 = arith.constant 0.591722131 : f32
    %broadcast_in_dim3A_156 = vector.broadcast %jit3A_155 : f32 to vector<16xf32>
    %select_n3A_157 = arith.select %eq3A_154, %broadcast_in_dim3A_156, %select_n3A_145 : vector<16xi1>, vector<16xf32>
    %eq3A_158 = arith.constant 11 : i32
    %eq3A_159 = vector.broadcast %eq3A_158 : i32 to vector<16xi32>
    %eq3A_160 = arith.cmpi eq, %iota3A, %eq3A_159 : vector<16xi32>
    %jit3A_161 = arith.constant 20 : i32
    %broadcast_in_dim3A_162 = vector.broadcast %jit3A_161 : i32 to vector<16xi32>
    %select_n3A_163 = arith.select %eq3A_160, %broadcast_in_dim3A_162, %select_n3A_151 : vector<16xi1>, vector<16xi32>
    %eq3A_164 = arith.constant 11 : i32
    %eq3A_165 = vector.broadcast %eq3A_164 : i32 to vector<16xi32>
    %eq3A_166 = arith.cmpi eq, %iota3A, %eq3A_165 : vector<16xi32>
    %jit3A_167 = arith.constant 0.737526714 : f32
    %broadcast_in_dim3A_168 = vector.broadcast %jit3A_167 : f32 to vector<16xf32>
    %select_n3A_169 = arith.select %eq3A_166, %broadcast_in_dim3A_168, %select_n3A_157 : vector<16xi1>, vector<16xf32>
    %eq3A_170 = arith.constant 12 : i32
    %eq3A_171 = vector.broadcast %eq3A_170 : i32 to vector<16xi32>
    %eq3A_172 = arith.cmpi eq, %iota3A, %eq3A_171 : vector<16xi32>
    %jit3A_173 = arith.constant 30 : i32
    %broadcast_in_dim3A_174 = vector.broadcast %jit3A_173 : i32 to vector<16xi32>
    %select_n3A_175 = arith.select %eq3A_172, %broadcast_in_dim3A_174, %select_n3A_163 : vector<16xi1>, vector<16xi32>
    %eq3A_176 = arith.constant 12 : i32
    %eq3A_177 = vector.broadcast %eq3A_176 : i32 to vector<16xi32>
    %eq3A_178 = arith.cmpi eq, %iota3A, %eq3A_177 : vector<16xi32>
    %jit3A_179 = arith.constant 0.709354341 : f32
    %broadcast_in_dim3A_180 = vector.broadcast %jit3A_179 : f32 to vector<16xf32>
    %select_n3A_181 = arith.select %eq3A_178, %broadcast_in_dim3A_180, %select_n3A_169 : vector<16xi1>, vector<16xf32>
    %eq3A_182 = arith.constant 13 : i32
    %eq3A_183 = vector.broadcast %eq3A_182 : i32 to vector<16xi32>
    %eq3A_184 = arith.cmpi eq, %iota3A, %eq3A_183 : vector<16xi32>
    %jit3A_185 = arith.constant 7 : i32
    %broadcast_in_dim3A_186 = vector.broadcast %jit3A_185 : i32 to vector<16xi32>
    %select_n3A_187 = arith.select %eq3A_184, %broadcast_in_dim3A_186, %select_n3A_175 : vector<16xi1>, vector<16xi32>
    %eq3A_188 = arith.constant 13 : i32
    %eq3A_189 = vector.broadcast %eq3A_188 : i32 to vector<16xi32>
    %eq3A_190 = arith.cmpi eq, %iota3A, %eq3A_189 : vector<16xi32>
    %jit3A_191 = arith.constant 0.812252163 : f32
    %broadcast_in_dim3A_192 = vector.broadcast %jit3A_191 : f32 to vector<16xf32>
    %select_n3A_193 = arith.select %eq3A_190, %broadcast_in_dim3A_192, %select_n3A_181 : vector<16xi1>, vector<16xf32>
    %eq3A_194 = arith.constant 14 : i32
    %eq3A_195 = vector.broadcast %eq3A_194 : i32 to vector<16xi32>
    %eq3A_196 = arith.cmpi eq, %iota3A, %eq3A_195 : vector<16xi32>
    %jit3A_197 = arith.constant 3 : i32
    %broadcast_in_dim3A_198 = vector.broadcast %jit3A_197 : i32 to vector<16xi32>
    %select_n3A_199 = arith.select %eq3A_196, %broadcast_in_dim3A_198, %select_n3A_187 : vector<16xi1>, vector<16xi32>
    %eq3A_200 = arith.constant 14 : i32
    %eq3A_201 = vector.broadcast %eq3A_200 : i32 to vector<16xi32>
    %eq3A_202 = arith.cmpi eq, %iota3A, %eq3A_201 : vector<16xi32>
    %jit3A_203 = arith.constant 0.870550394 : f32
    %broadcast_in_dim3A_204 = vector.broadcast %jit3A_203 : f32 to vector<16xf32>
    %select_n3A_205 = arith.select %eq3A_202, %broadcast_in_dim3A_204, %select_n3A_193 : vector<16xi1>, vector<16xf32>
    %eq3A_206 = arith.constant 15 : i32
    %eq3A_207 = vector.broadcast %eq3A_206 : i32 to vector<16xi32>
    %eq3A_208 = arith.cmpi eq, %iota3A, %eq3A_207 : vector<16xi32>
    %jit3A_209 = arith.constant 31 : i32
    %broadcast_in_dim3A_210 = vector.broadcast %jit3A_209 : i32 to vector<16xi32>
    %select_n3A_211 = arith.select %eq3A_208, %broadcast_in_dim3A_210, %select_n3A_199 : vector<16xi1>, vector<16xi32>
    %eq3A_212 = arith.constant 15 : i32
    %eq3A_213 = vector.broadcast %eq3A_212 : i32 to vector<16xi32>
    %eq3A_214 = arith.cmpi eq, %iota3A, %eq3A_213 : vector<16xi32>
    %jit3A_215 = arith.constant 0.707105756 : f32
    %broadcast_in_dim3A_216 = vector.broadcast %jit3A_215 : f32 to vector<16xf32>
    %select_n3A_217 = arith.select %eq3A_214, %broadcast_in_dim3A_216, %select_n3A_205 : vector<16xi1>, vector<16xf32>
    %broadcast_in_dim3A_218 = arith.constant 0 : i32
    %broadcast_in_dim3A_219 = vector.broadcast %broadcast_in_dim3A_218 : i32 to vector<16xi32>
    %broadcast_in_dim3A_220 = arith.constant 0.000000e+00 : f32
    %broadcast_in_dim3A_221 = vector.broadcast %broadcast_in_dim3A_220 : f32 to vector<16xf32>
    %eq3A_222 = arith.constant 0 : i32
    %eq3A_223 = vector.broadcast %eq3A_222 : i32 to vector<16xi32>
    %eq3A_224 = arith.cmpi eq, %iota3A, %eq3A_223 : vector<16xi32>
    %jit3A_225 = arith.constant 905 : i32
    %broadcast_in_dim3A_226 = vector.broadcast %jit3A_225 : i32 to vector<16xi32>
    %select_n3A_227 = arith.select %eq3A_224, %broadcast_in_dim3A_226, %broadcast_in_dim3A_219 : vector<16xi1>, vector<16xi32>
    %eq3A_228 = arith.constant 0 : i32
    %eq3A_229 = vector.broadcast %eq3A_228 : i32 to vector<16xi32>
    %eq3A_230 = arith.cmpi eq, %iota3A, %eq3A_229 : vector<16xi32>
    %jit3A_231 = arith.constant 0.50608933 : f32
    %broadcast_in_dim3A_232 = vector.broadcast %jit3A_231 : f32 to vector<16xf32>
    %select_n3A_233 = arith.select %eq3A_230, %broadcast_in_dim3A_232, %broadcast_in_dim3A_221 : vector<16xi1>, vector<16xf32>
    %eq3A_234 = arith.constant 1 : i32
    %eq3A_235 = vector.broadcast %eq3A_234 : i32 to vector<16xi32>
    %eq3A_236 = arith.cmpi eq, %iota3A, %eq3A_235 : vector<16xi32>
    %jit3A_237 = arith.constant 150 : i32
    %broadcast_in_dim3A_238 = vector.broadcast %jit3A_237 : i32 to vector<16xi32>
    %select_n3A_239 = arith.select %eq3A_236, %broadcast_in_dim3A_238, %select_n3A_227 : vector<16xi1>, vector<16xi32>
    %eq3A_240 = arith.constant 1 : i32
    %eq3A_241 = vector.broadcast %eq3A_240 : i32 to vector<16xi32>
    %eq3A_242 = arith.cmpi eq, %iota3A, %eq3A_241 : vector<16xi32>
    %jit3A_243 = arith.constant 0.605476558 : f32
    %broadcast_in_dim3A_244 = vector.broadcast %jit3A_243 : f32 to vector<16xf32>
    %select_n3A_245 = arith.select %eq3A_242, %broadcast_in_dim3A_244, %select_n3A_233 : vector<16xi1>, vector<16xf32>
    %eq3A_246 = arith.constant 2 : i32
    %eq3A_247 = vector.broadcast %eq3A_246 : i32 to vector<16xi32>
    %eq3A_248 = arith.cmpi eq, %iota3A, %eq3A_247 : vector<16xi32>
    %jit3A_249 = arith.constant 3594 : i32
    %broadcast_in_dim3A_250 = vector.broadcast %jit3A_249 : i32 to vector<16xi32>
    %select_n3A_251 = arith.select %eq3A_248, %broadcast_in_dim3A_250, %select_n3A_239 : vector<16xi1>, vector<16xi32>
    %eq3A_252 = arith.constant 2 : i32
    %eq3A_253 = vector.broadcast %eq3A_252 : i32 to vector<16xi32>
    %eq3A_254 = arith.cmpi eq, %iota3A, %eq3A_253 : vector<16xi32>
    %jit3A_255 = arith.constant 0.44057253 : f32
    %broadcast_in_dim3A_256 = vector.broadcast %jit3A_255 : f32 to vector<16xf32>
    %select_n3A_257 = arith.select %eq3A_254, %broadcast_in_dim3A_256, %select_n3A_245 : vector<16xi1>, vector<16xf32>
    %eq3A_258 = arith.constant 3 : i32
    %eq3A_259 = vector.broadcast %eq3A_258 : i32 to vector<16xi32>
    %eq3A_260 = arith.cmpi eq, %iota3A, %eq3A_259 : vector<16xi32>
    %jit3A_261 = arith.constant 16 : i32
    %broadcast_in_dim3A_262 = vector.broadcast %jit3A_261 : i32 to vector<16xi32>
    %select_n3A_263 = arith.select %eq3A_260, %broadcast_in_dim3A_262, %select_n3A_251 : vector<16xi1>, vector<16xi32>
    %eq3A_264 = arith.constant 3 : i32
    %eq3A_265 = vector.broadcast %eq3A_264 : i32 to vector<16xi32>
    %eq3A_266 = arith.cmpi eq, %iota3A, %eq3A_265 : vector<16xi32>
    %jit3A_267 = arith.constant 0.753277242 : f32
    %broadcast_in_dim3A_268 = vector.broadcast %jit3A_267 : f32 to vector<16xf32>
    %select_n3A_269 = arith.select %eq3A_266, %broadcast_in_dim3A_268, %select_n3A_257 : vector<16xi1>, vector<16xf32>
    %eq3A_270 = arith.constant 4 : i32
    %eq3A_271 = vector.broadcast %eq3A_270 : i32 to vector<16xi32>
    %eq3A_272 = arith.cmpi eq, %iota3A, %eq3A_271 : vector<16xi32>
    %jit3A_273 = arith.constant 46 : i32
    %broadcast_in_dim3A_274 = vector.broadcast %jit3A_273 : i32 to vector<16xi32>
    %select_n3A_275 = arith.select %eq3A_272, %broadcast_in_dim3A_274, %select_n3A_263 : vector<16xi1>, vector<16xi32>
    %eq3A_276 = arith.constant 4 : i32
    %eq3A_277 = vector.broadcast %eq3A_276 : i32 to vector<16xi32>
    %eq3A_278 = arith.cmpi eq, %iota3A, %eq3A_277 : vector<16xi32>
    %jit3A_279 = arith.constant 0.680439054 : f32
    %broadcast_in_dim3A_280 = vector.broadcast %jit3A_279 : f32 to vector<16xf32>
    %select_n3A_281 = arith.select %eq3A_278, %broadcast_in_dim3A_280, %select_n3A_269 : vector<16xi1>, vector<16xf32>
    %eq3A_282 = arith.constant 5 : i32
    %eq3A_283 = vector.broadcast %eq3A_282 : i32 to vector<16xi32>
    %eq3A_284 = arith.cmpi eq, %iota3A, %eq3A_283 : vector<16xi32>
    %jit3A_285 = arith.constant 177 : i32
    %broadcast_in_dim3A_286 = vector.broadcast %jit3A_285 : i32 to vector<16xi32>
    %select_n3A_287 = arith.select %eq3A_284, %broadcast_in_dim3A_286, %select_n3A_275 : vector<16xi1>, vector<16xi32>
    %eq3A_288 = arith.constant 5 : i32
    %eq3A_289 = vector.broadcast %eq3A_288 : i32 to vector<16xi32>
    %eq3A_290 = arith.cmpi eq, %iota3A, %eq3A_289 : vector<16xi32>
    %jit3A_291 = arith.constant 5.955960e-01 : f32
    %broadcast_in_dim3A_292 = vector.broadcast %jit3A_291 : f32 to vector<16xf32>
    %select_n3A_293 = arith.select %eq3A_290, %broadcast_in_dim3A_292, %select_n3A_281 : vector<16xi1>, vector<16xf32>
    %eq3A_294 = arith.constant 6 : i32
    %eq3A_295 = vector.broadcast %eq3A_294 : i32 to vector<16xi32>
    %eq3A_296 = arith.cmpi eq, %iota3A, %eq3A_295 : vector<16xi32>
    %jit3A_297 = arith.constant 222 : i32
    %broadcast_in_dim3A_298 = vector.broadcast %jit3A_297 : i32 to vector<16xi32>
    %select_n3A_299 = arith.select %eq3A_296, %broadcast_in_dim3A_298, %select_n3A_287 : vector<16xi1>, vector<16xi32>
    %eq3A_300 = arith.constant 6 : i32
    %eq3A_301 = vector.broadcast %eq3A_300 : i32 to vector<16xi32>
    %eq3A_302 = arith.cmpi eq, %iota3A, %eq3A_301 : vector<16xi32>
    %jit3A_303 = arith.constant 0.582319081 : f32
    %broadcast_in_dim3A_304 = vector.broadcast %jit3A_303 : f32 to vector<16xf32>
    %select_n3A_305 = arith.select %eq3A_302, %broadcast_in_dim3A_304, %select_n3A_293 : vector<16xi1>, vector<16xf32>
    %eq3A_306 = arith.constant 7 : i32
    %eq3A_307 = vector.broadcast %eq3A_306 : i32 to vector<16xi32>
    %eq3A_308 = arith.cmpi eq, %iota3A, %eq3A_307 : vector<16xi32>
    %jit3A_309 = arith.constant 2 : i32
    %broadcast_in_dim3A_310 = vector.broadcast %jit3A_309 : i32 to vector<16xi32>
    %select_n3A_311 = arith.select %eq3A_308, %broadcast_in_dim3A_310, %select_n3A_299 : vector<16xi1>, vector<16xi32>
    %eq3A_312 = arith.constant 7 : i32
    %eq3A_313 = vector.broadcast %eq3A_312 : i32 to vector<16xi32>
    %eq3A_314 = arith.cmpi eq, %iota3A, %eq3A_313 : vector<16xi32>
    %jit3A_315 = arith.constant 0.895958423 : f32
    %broadcast_in_dim3A_316 = vector.broadcast %jit3A_315 : f32 to vector<16xf32>
    %select_n3A_317 = arith.select %eq3A_314, %broadcast_in_dim3A_316, %select_n3A_305 : vector<16xi1>, vector<16xf32>
    %eq3A_318 = arith.constant 8 : i32
    %eq3A_319 = vector.broadcast %eq3A_318 : i32 to vector<16xi32>
    %eq3A_320 = arith.cmpi eq, %iota3A, %eq3A_319 : vector<16xi32>
    %jit3A_321 = arith.constant 11 : i32
    %broadcast_in_dim3A_322 = vector.broadcast %jit3A_321 : i32 to vector<16xi32>
    %select_n3A_323 = arith.select %eq3A_320, %broadcast_in_dim3A_322, %select_n3A_311 : vector<16xi1>, vector<16xi32>
    %eq3A_324 = arith.constant 8 : i32
    %eq3A_325 = vector.broadcast %eq3A_324 : i32 to vector<16xi32>
    %eq3A_326 = arith.cmpi eq, %iota3A, %eq3A_325 : vector<16xi32>
    %jit3A_327 = arith.constant 0.779976844 : f32
    %broadcast_in_dim3A_328 = vector.broadcast %jit3A_327 : f32 to vector<16xf32>
    %select_n3A_329 = arith.select %eq3A_326, %broadcast_in_dim3A_328, %select_n3A_317 : vector<16xi1>, vector<16xf32>
    %eq3A_330 = arith.constant 9 : i32
    %eq3A_331 = vector.broadcast %eq3A_330 : i32 to vector<16xi32>
    %eq3A_332 = arith.cmpi eq, %iota3A, %eq3A_331 : vector<16xi32>
    %jit3A_333 = arith.constant 34 : i32
    %broadcast_in_dim3A_334 = vector.broadcast %jit3A_333 : i32 to vector<16xi32>
    %select_n3A_335 = arith.select %eq3A_332, %broadcast_in_dim3A_334, %select_n3A_323 : vector<16xi1>, vector<16xi32>
    %eq3A_336 = arith.constant 9 : i32
    %eq3A_337 = vector.broadcast %eq3A_336 : i32 to vector<16xi32>
    %eq3A_338 = arith.cmpi eq, %iota3A, %eq3A_337 : vector<16xi32>
    %jit3A_339 = arith.constant 0.700797498 : f32
    %broadcast_in_dim3A_340 = vector.broadcast %jit3A_339 : f32 to vector<16xf32>
    %select_n3A_341 = arith.select %eq3A_338, %broadcast_in_dim3A_340, %select_n3A_329 : vector<16xi1>, vector<16xf32>
    %eq3A_342 = arith.constant 10 : i32
    %eq3A_343 = vector.broadcast %eq3A_342 : i32 to vector<16xi32>
    %eq3A_344 = arith.cmpi eq, %iota3A, %eq3A_343 : vector<16xi32>
    %jit3A_345 = arith.constant 25 : i32
    %broadcast_in_dim3A_346 = vector.broadcast %jit3A_345 : i32 to vector<16xi32>
    %select_n3A_347 = arith.select %eq3A_344, %broadcast_in_dim3A_346, %select_n3A_335 : vector<16xi1>, vector<16xi32>
    %eq3A_348 = arith.constant 10 : i32
    %eq3A_349 = vector.broadcast %eq3A_348 : i32 to vector<16xi32>
    %eq3A_350 = arith.cmpi eq, %iota3A, %eq3A_349 : vector<16xi32>
    %jit3A_351 = arith.constant 0.721941829 : f32
    %broadcast_in_dim3A_352 = vector.broadcast %jit3A_351 : f32 to vector<16xf32>
    %select_n3A_353 = arith.select %eq3A_350, %broadcast_in_dim3A_352, %select_n3A_341 : vector<16xi1>, vector<16xf32>
    %eq3A_354 = arith.constant 11 : i32
    %eq3A_355 = vector.broadcast %eq3A_354 : i32 to vector<16xi32>
    %eq3A_356 = arith.cmpi eq, %iota3A, %eq3A_355 : vector<16xi32>
    %jit3A_357 = arith.constant 134 : i32
    %broadcast_in_dim3A_358 = vector.broadcast %jit3A_357 : i32 to vector<16xi32>
    %select_n3A_359 = arith.select %eq3A_356, %broadcast_in_dim3A_358, %select_n3A_347 : vector<16xi1>, vector<16xi32>
    %eq3A_360 = arith.constant 11 : i32
    %eq3A_361 = vector.broadcast %eq3A_360 : i32 to vector<16xi32>
    %eq3A_362 = arith.cmpi eq, %iota3A, %eq3A_361 : vector<16xi32>
    %jit3A_363 = arith.constant 0.612297416 : f32
    %broadcast_in_dim3A_364 = vector.broadcast %jit3A_363 : f32 to vector<16xf32>
    %select_n3A_365 = arith.select %eq3A_362, %broadcast_in_dim3A_364, %select_n3A_353 : vector<16xi1>, vector<16xf32>
    %eq3A_366 = arith.constant 12 : i32
    %eq3A_367 = vector.broadcast %eq3A_366 : i32 to vector<16xi32>
    %eq3A_368 = arith.cmpi eq, %iota3A, %eq3A_367 : vector<16xi32>
    %jit3A_369 = arith.constant 4 : i32
    %broadcast_in_dim3A_370 = vector.broadcast %jit3A_369 : i32 to vector<16xi32>
    %select_n3A_371 = arith.select %eq3A_368, %broadcast_in_dim3A_370, %select_n3A_359 : vector<16xi1>, vector<16xi32>
    %eq3A_372 = arith.constant 12 : i32
    %eq3A_373 = vector.broadcast %eq3A_372 : i32 to vector<16xi32>
    %eq3A_374 = arith.cmpi eq, %iota3A, %eq3A_373 : vector<16xi32>
    %jit3A_375 = arith.constant 0.851339876 : f32
    %broadcast_in_dim3A_376 = vector.broadcast %jit3A_375 : f32 to vector<16xf32>
    %select_n3A_377 = arith.select %eq3A_374, %broadcast_in_dim3A_376, %select_n3A_365 : vector<16xi1>, vector<16xf32>
    %eq3A_378 = arith.constant 13 : i32
    %eq3A_379 = vector.broadcast %eq3A_378 : i32 to vector<16xi32>
    %eq3A_380 = arith.cmpi eq, %iota3A, %eq3A_379 : vector<16xi32>
    %jit3A_381 = arith.constant 12 : i32
    %broadcast_in_dim3A_382 = vector.broadcast %jit3A_381 : i32 to vector<16xi32>
    %select_n3A_383 = arith.select %eq3A_380, %broadcast_in_dim3A_382, %select_n3A_371 : vector<16xi1>, vector<16xi32>
    %eq3A_384 = arith.constant 13 : i32
    %eq3A_385 = vector.broadcast %eq3A_384 : i32 to vector<16xi32>
    %eq3A_386 = arith.cmpi eq, %iota3A, %eq3A_385 : vector<16xi32>
    %jit3A_387 = arith.constant 0.77375859 : f32
    %broadcast_in_dim3A_388 = vector.broadcast %jit3A_387 : f32 to vector<16xf32>
    %select_n3A_389 = arith.select %eq3A_386, %broadcast_in_dim3A_388, %select_n3A_377 : vector<16xi1>, vector<16xf32>
    %eq3A_390 = arith.constant 14 : i32
    %eq3A_391 = vector.broadcast %eq3A_390 : i32 to vector<16xi32>
    %eq3A_392 = arith.cmpi eq, %iota3A, %eq3A_391 : vector<16xi32>
    %jit3A_393 = arith.constant 103 : i32
    %broadcast_in_dim3A_394 = vector.broadcast %jit3A_393 : i32 to vector<16xi32>
    %select_n3A_395 = arith.select %eq3A_392, %broadcast_in_dim3A_394, %select_n3A_383 : vector<16xi1>, vector<16xi32>
    %eq3A_396 = arith.constant 14 : i32
    %eq3A_397 = vector.broadcast %eq3A_396 : i32 to vector<16xi32>
    %eq3A_398 = arith.cmpi eq, %iota3A, %eq3A_397 : vector<16xi32>
    %jit3A_399 = arith.constant 0.628483235 : f32
    %broadcast_in_dim3A_400 = vector.broadcast %jit3A_399 : f32 to vector<16xf32>
    %select_n3A_401 = arith.select %eq3A_398, %broadcast_in_dim3A_400, %select_n3A_389 : vector<16xi1>, vector<16xf32>
    %eq3A_402 = arith.constant 15 : i32
    %eq3A_403 = vector.broadcast %eq3A_402 : i32 to vector<16xi32>
    %eq3A_404 = arith.cmpi eq, %iota3A, %eq3A_403 : vector<16xi32>
    %jit3A_405 = arith.constant 281 : i32
    %broadcast_in_dim3A_406 = vector.broadcast %jit3A_405 : i32 to vector<16xi32>
    %select_n3A_407 = arith.select %eq3A_404, %broadcast_in_dim3A_406, %select_n3A_395 : vector<16xi1>, vector<16xi32>
    %eq3A_408 = arith.constant 15 : i32
    %eq3A_409 = vector.broadcast %eq3A_408 : i32 to vector<16xi32>
    %eq3A_410 = arith.cmpi eq, %iota3A, %eq3A_409 : vector<16xi32>
    %jit3A_411 = arith.constant 0.56880486 : f32
    %broadcast_in_dim3A_412 = vector.broadcast %jit3A_411 : f32 to vector<16xf32>
    %select_n3A_413 = arith.select %eq3A_410, %broadcast_in_dim3A_412, %select_n3A_401 : vector<16xi1>, vector<16xf32>
    %broadcast_in_dim3A_414 = arith.constant 0 : i32
    %broadcast_in_dim3A_415 = vector.broadcast %broadcast_in_dim3A_414 : i32 to vector<16xi32>
    %broadcast_in_dim3A_416 = arith.constant 0.000000e+00 : f32
    %broadcast_in_dim3A_417 = vector.broadcast %broadcast_in_dim3A_416 : f32 to vector<16xf32>
    %eq3A_418 = arith.constant 0 : i32
    %eq3A_419 = vector.broadcast %eq3A_418 : i32 to vector<16xi32>
    %eq3A_420 = arith.cmpi eq, %iota3A, %eq3A_419 : vector<16xi32>
    %jit3A_421 = arith.constant 26 : i32
    %broadcast_in_dim3A_422 = vector.broadcast %jit3A_421 : i32 to vector<16xi32>
    %select_n3A_423 = arith.select %eq3A_420, %broadcast_in_dim3A_422, %broadcast_in_dim3A_415 : vector<16xi1>, vector<16xi32>
    %eq3A_424 = arith.constant 0 : i32
    %eq3A_425 = vector.broadcast %eq3A_424 : i32 to vector<16xi32>
    %eq3A_426 = arith.cmpi eq, %iota3A, %eq3A_425 : vector<16xi32>
    %jit3A_427 = arith.constant 0.719222247 : f32
    %broadcast_in_dim3A_428 = vector.broadcast %jit3A_427 : f32 to vector<16xf32>
    %select_n3A_429 = arith.select %eq3A_426, %broadcast_in_dim3A_428, %broadcast_in_dim3A_417 : vector<16xi1>, vector<16xf32>
    %eq3A_430 = arith.constant 1 : i32
    %eq3A_431 = vector.broadcast %eq3A_430 : i32 to vector<16xi32>
    %eq3A_432 = arith.cmpi eq, %iota3A, %eq3A_431 : vector<16xi32>
    %jit3A_433 = arith.constant 831 : i32
    %broadcast_in_dim3A_434 = vector.broadcast %jit3A_433 : i32 to vector<16xi32>
    %select_n3A_435 = arith.select %eq3A_432, %broadcast_in_dim3A_434, %select_n3A_423 : vector<16xi1>, vector<16xi32>
    %eq3A_436 = arith.constant 1 : i32
    %eq3A_437 = vector.broadcast %eq3A_436 : i32 to vector<16xi32>
    %eq3A_438 = arith.cmpi eq, %iota3A, %eq3A_437 : vector<16xi32>
    %jit3A_439 = arith.constant 0.510427892 : f32
    %broadcast_in_dim3A_440 = vector.broadcast %jit3A_439 : f32 to vector<16xf32>
    %select_n3A_441 = arith.select %eq3A_438, %broadcast_in_dim3A_440, %select_n3A_429 : vector<16xi1>, vector<16xf32>
    %eq3A_442 = arith.constant 2 : i32
    %eq3A_443 = vector.broadcast %eq3A_442 : i32 to vector<16xi32>
    %eq3A_444 = arith.cmpi eq, %iota3A, %eq3A_443 : vector<16xi32>
    %jit3A_445 = arith.constant 62 : i32
    %broadcast_in_dim3A_446 = vector.broadcast %jit3A_445 : i32 to vector<16xi32>
    %select_n3A_447 = arith.select %eq3A_444, %broadcast_in_dim3A_446, %select_n3A_435 : vector<16xi1>, vector<16xi32>
    %eq3A_448 = arith.constant 2 : i32
    %eq3A_449 = vector.broadcast %eq3A_448 : i32 to vector<16xi32>
    %eq3A_450 = arith.cmpi eq, %iota3A, %eq3A_449 : vector<16xi32>
    %jit3A_451 = arith.constant 0.660791516 : f32
    %broadcast_in_dim3A_452 = vector.broadcast %jit3A_451 : f32 to vector<16xf32>
    %select_n3A_453 = arith.select %eq3A_450, %broadcast_in_dim3A_452, %select_n3A_441 : vector<16xi1>, vector<16xf32>
    %eq3A_454 = arith.constant 3 : i32
    %eq3A_455 = vector.broadcast %eq3A_454 : i32 to vector<16xi32>
    %eq3A_456 = arith.cmpi eq, %iota3A, %eq3A_455 : vector<16xi32>
    %jit3A_457 = arith.constant 52 : i32
    %broadcast_in_dim3A_458 = vector.broadcast %jit3A_457 : i32 to vector<16xi32>
    %select_n3A_459 = arith.select %eq3A_456, %broadcast_in_dim3A_458, %select_n3A_447 : vector<16xi1>, vector<16xi32>
    %eq3A_460 = arith.constant 3 : i32
    %eq3A_461 = vector.broadcast %eq3A_460 : i32 to vector<16xi32>
    %eq3A_462 = arith.cmpi eq, %iota3A, %eq3A_461 : vector<16xi32>
    %jit3A_463 = arith.constant 0.672312557 : f32
    %broadcast_in_dim3A_464 = vector.broadcast %jit3A_463 : f32 to vector<16xf32>
    %select_n3A_465 = arith.select %eq3A_462, %broadcast_in_dim3A_464, %select_n3A_453 : vector<16xi1>, vector<16xf32>
    %eq3A_466 = arith.constant 4 : i32
    %eq3A_467 = vector.broadcast %eq3A_466 : i32 to vector<16xi32>
    %eq3A_468 = arith.cmpi eq, %iota3A, %eq3A_467 : vector<16xi32>
    %jit3A_469 = arith.constant 60 : i32
    %broadcast_in_dim3A_470 = vector.broadcast %jit3A_469 : i32 to vector<16xi32>
    %select_n3A_471 = arith.select %eq3A_468, %broadcast_in_dim3A_470, %select_n3A_459 : vector<16xi1>, vector<16xi32>
    %eq3A_472 = arith.constant 4 : i32
    %eq3A_473 = vector.broadcast %eq3A_472 : i32 to vector<16xi32>
    %eq3A_474 = arith.cmpi eq, %iota3A, %eq3A_473 : vector<16xi32>
    %jit3A_475 = arith.constant 0.662926852 : f32
    %broadcast_in_dim3A_476 = vector.broadcast %jit3A_475 : f32 to vector<16xf32>
    %select_n3A_477 = arith.select %eq3A_474, %broadcast_in_dim3A_476, %select_n3A_465 : vector<16xi1>, vector<16xf32>
    %eq3A_478 = arith.constant 5 : i32
    %eq3A_479 = vector.broadcast %eq3A_478 : i32 to vector<16xi32>
    %eq3A_480 = arith.cmpi eq, %iota3A, %eq3A_479 : vector<16xi32>
    %jit3A_481 = arith.constant 1590 : i32
    %broadcast_in_dim3A_482 = vector.broadcast %jit3A_481 : i32 to vector<16xi32>
    %select_n3A_483 = arith.select %eq3A_480, %broadcast_in_dim3A_482, %select_n3A_471 : vector<16xi1>, vector<16xi32>
    %eq3A_484 = arith.constant 5 : i32
    %eq3A_485 = vector.broadcast %eq3A_484 : i32 to vector<16xi32>
    %eq3A_486 = arith.cmpi eq, %iota3A, %eq3A_485 : vector<16xi32>
    %jit3A_487 = arith.constant 0.47830072 : f32
    %broadcast_in_dim3A_488 = vector.broadcast %jit3A_487 : f32 to vector<16xf32>
    %select_n3A_489 = arith.select %eq3A_486, %broadcast_in_dim3A_488, %select_n3A_477 : vector<16xi1>, vector<16xf32>
    %eq3A_490 = arith.constant 6 : i32
    %eq3A_491 = vector.broadcast %eq3A_490 : i32 to vector<16xi32>
    %eq3A_492 = arith.cmpi eq, %iota3A, %eq3A_491 : vector<16xi32>
    %jit3A_493 = arith.constant 4593 : i32
    %broadcast_in_dim3A_494 = vector.broadcast %jit3A_493 : i32 to vector<16xi32>
    %select_n3A_495 = arith.select %eq3A_492, %broadcast_in_dim3A_494, %select_n3A_483 : vector<16xi1>, vector<16xi32>
    %eq3A_496 = arith.constant 6 : i32
    %eq3A_497 = vector.broadcast %eq3A_496 : i32 to vector<16xi32>
    %eq3A_498 = arith.cmpi eq, %iota3A, %eq3A_497 : vector<16xi32>
    %jit3A_499 = arith.constant 0.429733604 : f32
    %broadcast_in_dim3A_500 = vector.broadcast %jit3A_499 : f32 to vector<16xf32>
    %select_n3A_501 = arith.select %eq3A_498, %broadcast_in_dim3A_500, %select_n3A_489 : vector<16xi1>, vector<16xf32>
    %eq3A_502 = arith.constant 7 : i32
    %eq3A_503 = vector.broadcast %eq3A_502 : i32 to vector<16xi32>
    %eq3A_504 = arith.cmpi eq, %iota3A, %eq3A_503 : vector<16xi32>
    %jit3A_505 = arith.constant 104 : i32
    %broadcast_in_dim3A_506 = vector.broadcast %jit3A_505 : i32 to vector<16xi32>
    %select_n3A_507 = arith.select %eq3A_504, %broadcast_in_dim3A_506, %select_n3A_495 : vector<16xi1>, vector<16xi32>
    %eq3A_508 = arith.constant 7 : i32
    %eq3A_509 = vector.broadcast %eq3A_508 : i32 to vector<16xi32>
    %eq3A_510 = arith.cmpi eq, %iota3A, %eq3A_509 : vector<16xi32>
    %jit3A_511 = arith.constant 6.278820e-01 : f32
    %broadcast_in_dim3A_512 = vector.broadcast %jit3A_511 : f32 to vector<16xf32>
    %select_n3A_513 = arith.select %eq3A_510, %broadcast_in_dim3A_512, %select_n3A_501 : vector<16xi1>, vector<16xf32>
    %eq3A_514 = arith.constant 8 : i32
    %eq3A_515 = vector.broadcast %eq3A_514 : i32 to vector<16xi32>
    %eq3A_516 = arith.cmpi eq, %iota3A, %eq3A_515 : vector<16xi32>
    %jit3A_517 = arith.constant 15 : i32
    %broadcast_in_dim3A_518 = vector.broadcast %jit3A_517 : i32 to vector<16xi32>
    %select_n3A_519 = arith.select %eq3A_516, %broadcast_in_dim3A_518, %select_n3A_507 : vector<16xi1>, vector<16xi32>
    %eq3A_520 = arith.constant 8 : i32
    %eq3A_521 = vector.broadcast %eq3A_520 : i32 to vector<16xi32>
    %eq3A_522 = arith.cmpi eq, %iota3A, %eq3A_521 : vector<16xi32>
    %jit3A_523 = arith.constant 0.757857918 : f32
    %broadcast_in_dim3A_524 = vector.broadcast %jit3A_523 : f32 to vector<16xf32>
    %select_n3A_525 = arith.select %eq3A_522, %broadcast_in_dim3A_524, %select_n3A_513 : vector<16xi1>, vector<16xf32>
    %eq3A_526 = arith.constant 9 : i32
    %eq3A_527 = vector.broadcast %eq3A_526 : i32 to vector<16xi32>
    %eq3A_528 = arith.cmpi eq, %iota3A, %eq3A_527 : vector<16xi32>
    %jit3A_529 = arith.constant 43 : i32
    %broadcast_in_dim3A_530 = vector.broadcast %jit3A_529 : i32 to vector<16xi32>
    %select_n3A_531 = arith.select %eq3A_528, %broadcast_in_dim3A_530, %select_n3A_519 : vector<16xi1>, vector<16xi32>
    %eq3A_532 = arith.constant 9 : i32
    %eq3A_533 = vector.broadcast %eq3A_532 : i32 to vector<16xi32>
    %eq3A_534 = arith.cmpi eq, %iota3A, %eq3A_533 : vector<16xi32>
    %jit3A_535 = arith.constant 0.684942066 : f32
    %broadcast_in_dim3A_536 = vector.broadcast %jit3A_535 : f32 to vector<16xf32>
    %select_n3A_537 = arith.select %eq3A_534, %broadcast_in_dim3A_536, %select_n3A_525 : vector<16xi1>, vector<16xf32>
    %eq3A_538 = arith.constant 10 : i32
    %eq3A_539 = vector.broadcast %eq3A_538 : i32 to vector<16xi32>
    %eq3A_540 = arith.cmpi eq, %iota3A, %eq3A_539 : vector<16xi32>
    %jit3A_541 = arith.constant 14 : i32
    %broadcast_in_dim3A_542 = vector.broadcast %jit3A_541 : i32 to vector<16xi32>
    %select_n3A_543 = arith.select %eq3A_540, %broadcast_in_dim3A_542, %select_n3A_531 : vector<16xi1>, vector<16xi32>
    %eq3A_544 = arith.constant 10 : i32
    %eq3A_545 = vector.broadcast %eq3A_544 : i32 to vector<16xi32>
    %eq3A_546 = arith.cmpi eq, %iota3A, %eq3A_545 : vector<16xi32>
    %jit3A_547 = arith.constant 0.762764811 : f32
    %broadcast_in_dim3A_548 = vector.broadcast %jit3A_547 : f32 to vector<16xf32>
    %select_n3A_549 = arith.select %eq3A_546, %broadcast_in_dim3A_548, %select_n3A_537 : vector<16xi1>, vector<16xf32>
    %eq3A_550 = arith.constant 11 : i32
    %eq3A_551 = vector.broadcast %eq3A_550 : i32 to vector<16xi32>
    %eq3A_552 = arith.cmpi eq, %iota3A, %eq3A_551 : vector<16xi32>
    %jit3A_553 = arith.constant 3350 : i32
    %broadcast_in_dim3A_554 = vector.broadcast %jit3A_553 : i32 to vector<16xi32>
    %select_n3A_555 = arith.select %eq3A_552, %broadcast_in_dim3A_554, %select_n3A_543 : vector<16xi1>, vector<16xi32>
    %eq3A_556 = arith.constant 11 : i32
    %eq3A_557 = vector.broadcast %eq3A_556 : i32 to vector<16xi32>
    %eq3A_558 = arith.cmpi eq, %iota3A, %eq3A_557 : vector<16xi32>
    %jit3A_559 = arith.constant 0.443719506 : f32
    %broadcast_in_dim3A_560 = vector.broadcast %jit3A_559 : f32 to vector<16xf32>
    %select_n3A_561 = arith.select %eq3A_558, %broadcast_in_dim3A_560, %select_n3A_549 : vector<16xi1>, vector<16xf32>
    %eq3A_562 = arith.constant 12 : i32
    %eq3A_563 = vector.broadcast %eq3A_562 : i32 to vector<16xi32>
    %eq3A_564 = arith.cmpi eq, %iota3A, %eq3A_563 : vector<16xi32>
    %jit3A_565 = arith.constant 10 : i32
    %broadcast_in_dim3A_566 = vector.broadcast %jit3A_565 : i32 to vector<16xi32>
    %select_n3A_567 = arith.select %eq3A_564, %broadcast_in_dim3A_566, %select_n3A_555 : vector<16xi1>, vector<16xi32>
    %eq3A_568 = arith.constant 12 : i32
    %eq3A_569 = vector.broadcast %eq3A_568 : i32 to vector<16xi32>
    %eq3A_570 = arith.cmpi eq, %iota3A, %eq3A_569 : vector<16xi32>
    %jit3A_571 = arith.constant 0.786793112 : f32
    %broadcast_in_dim3A_572 = vector.broadcast %jit3A_571 : f32 to vector<16xf32>
    %select_n3A_573 = arith.select %eq3A_570, %broadcast_in_dim3A_572, %select_n3A_561 : vector<16xi1>, vector<16xf32>
    %eq3A_574 = arith.constant 13 : i32
    %eq3A_575 = vector.broadcast %eq3A_574 : i32 to vector<16xi32>
    %eq3A_576 = arith.cmpi eq, %iota3A, %eq3A_575 : vector<16xi32>
    %jit3A_577 = arith.constant 469 : i32
    %broadcast_in_dim3A_578 = vector.broadcast %jit3A_577 : i32 to vector<16xi32>
    %select_n3A_579 = arith.select %eq3A_576, %broadcast_in_dim3A_578, %select_n3A_567 : vector<16xi1>, vector<16xi32>
    %eq3A_580 = arith.constant 13 : i32
    %eq3A_581 = vector.broadcast %eq3A_580 : i32 to vector<16xi32>
    %eq3A_582 = arith.cmpi eq, %iota3A, %eq3A_581 : vector<16xi32>
    %jit3A_583 = arith.constant 0.540463328 : f32
    %broadcast_in_dim3A_584 = vector.broadcast %jit3A_583 : f32 to vector<16xf32>
    %select_n3A_585 = arith.select %eq3A_582, %broadcast_in_dim3A_584, %select_n3A_573 : vector<16xi1>, vector<16xf32>
    %eq3A_586 = arith.constant 14 : i32
    %eq3A_587 = vector.broadcast %eq3A_586 : i32 to vector<16xi32>
    %eq3A_588 = arith.cmpi eq, %iota3A, %eq3A_587 : vector<16xi32>
    %jit3A_589 = arith.constant 19 : i32
    %broadcast_in_dim3A_590 = vector.broadcast %jit3A_589 : i32 to vector<16xi32>
    %select_n3A_591 = arith.select %eq3A_588, %broadcast_in_dim3A_590, %select_n3A_579 : vector<16xi1>, vector<16xi32>
    %eq3A_592 = arith.constant 14 : i32
    %eq3A_593 = vector.broadcast %eq3A_592 : i32 to vector<16xi32>
    %eq3A_594 = arith.cmpi eq, %iota3A, %eq3A_593 : vector<16xi32>
    %jit3A_595 = arith.constant 0.741133928 : f32
    %broadcast_in_dim3A_596 = vector.broadcast %jit3A_595 : f32 to vector<16xf32>
    %select_n3A_597 = arith.select %eq3A_594, %broadcast_in_dim3A_596, %select_n3A_585 : vector<16xi1>, vector<16xf32>
    %eq3A_598 = arith.constant 15 : i32
    %eq3A_599 = vector.broadcast %eq3A_598 : i32 to vector<16xi32>
    %eq3A_600 = arith.cmpi eq, %iota3A, %eq3A_599 : vector<16xi32>
    %jit3A_601 = arith.constant 2678 : i32
    %broadcast_in_dim3A_602 = vector.broadcast %jit3A_601 : i32 to vector<16xi32>
    %select_n3A_603 = arith.select %eq3A_600, %broadcast_in_dim3A_602, %select_n3A_591 : vector<16xi1>, vector<16xi32>
    %eq3A_604 = arith.constant 15 : i32
    %eq3A_605 = vector.broadcast %eq3A_604 : i32 to vector<16xi32>
    %eq3A_606 = arith.cmpi eq, %iota3A, %eq3A_605 : vector<16xi32>
    %jit3A_607 = arith.constant 0.453867644 : f32
    %broadcast_in_dim3A_608 = vector.broadcast %jit3A_607 : f32 to vector<16xf32>
    %select_n3A_609 = arith.select %eq3A_606, %broadcast_in_dim3A_608, %select_n3A_597 : vector<16xi1>, vector<16xf32>
    %broadcast_in_dim3A_610 = arith.constant 0 : i32
    %broadcast_in_dim3A_611 = vector.broadcast %broadcast_in_dim3A_610 : i32 to vector<16xi32>
    %broadcast_in_dim3A_612 = arith.constant 0.000000e+00 : f32
    %broadcast_in_dim3A_613 = vector.broadcast %broadcast_in_dim3A_612 : f32 to vector<16xf32>
    %eq3A_614 = arith.constant 0 : i32
    %eq3A_615 = vector.broadcast %eq3A_614 : i32 to vector<16xi32>
    %eq3A_616 = arith.cmpi eq, %iota3A, %eq3A_615 : vector<16xi32>
    %jit3A_617 = arith.constant 2090 : i32
    %broadcast_in_dim3A_618 = vector.broadcast %jit3A_617 : i32 to vector<16xi32>
    %select_n3A_619 = arith.select %eq3A_616, %broadcast_in_dim3A_618, %broadcast_in_dim3A_611 : vector<16xi1>, vector<16xi32>
    %eq3A_620 = arith.constant 0 : i32
    %eq3A_621 = vector.broadcast %eq3A_620 : i32 to vector<16xi32>
    %eq3A_622 = arith.cmpi eq, %iota3A, %eq3A_621 : vector<16xi32>
    %jit3A_623 = arith.constant 0.465340883 : f32
    %broadcast_in_dim3A_624 = vector.broadcast %jit3A_623 : f32 to vector<16xf32>
    %select_n3A_625 = arith.select %eq3A_622, %broadcast_in_dim3A_624, %broadcast_in_dim3A_613 : vector<16xi1>, vector<16xf32>
    %eq3A_626 = arith.constant 1 : i32
    %eq3A_627 = vector.broadcast %eq3A_626 : i32 to vector<16xi32>
    %eq3A_628 = arith.cmpi eq, %iota3A, %eq3A_627 : vector<16xi32>
    %jit3A_629 = arith.constant 227 : i32
    %broadcast_in_dim3A_630 = vector.broadcast %jit3A_629 : i32 to vector<16xi32>
    %select_n3A_631 = arith.select %eq3A_628, %broadcast_in_dim3A_630, %select_n3A_619 : vector<16xi1>, vector<16xi32>
    %eq3A_632 = arith.constant 1 : i32
    %eq3A_633 = vector.broadcast %eq3A_632 : i32 to vector<16xi32>
    %eq3A_634 = arith.cmpi eq, %iota3A, %eq3A_633 : vector<16xi32>
    %jit3A_635 = arith.constant 5.810290e-01 : f32
    %broadcast_in_dim3A_636 = vector.broadcast %jit3A_635 : f32 to vector<16xf32>
    %select_n3A_637 = arith.select %eq3A_634, %broadcast_in_dim3A_636, %select_n3A_625 : vector<16xi1>, vector<16xf32>
    %eq3A_638 = arith.constant 2 : i32
    %eq3A_639 = vector.broadcast %eq3A_638 : i32 to vector<16xi32>
    %eq3A_640 = arith.cmpi eq, %iota3A, %eq3A_639 : vector<16xi32>
    %jit3A_641 = arith.constant 871 : i32
    %broadcast_in_dim3A_642 = vector.broadcast %jit3A_641 : i32 to vector<16xi32>
    %select_n3A_643 = arith.select %eq3A_640, %broadcast_in_dim3A_642, %select_n3A_631 : vector<16xi1>, vector<16xi32>
    %eq3A_644 = arith.constant 2 : i32
    %eq3A_645 = vector.broadcast %eq3A_644 : i32 to vector<16xi32>
    %eq3A_646 = arith.cmpi eq, %iota3A, %eq3A_645 : vector<16xi32>
    %jit3A_647 = arith.constant 0.508032501 : f32
    %broadcast_in_dim3A_648 = vector.broadcast %jit3A_647 : f32 to vector<16xf32>
    %select_n3A_649 = arith.select %eq3A_646, %broadcast_in_dim3A_648, %select_n3A_637 : vector<16xi1>, vector<16xf32>
    %eq3A_650 = arith.constant 3 : i32
    %eq3A_651 = vector.broadcast %eq3A_650 : i32 to vector<16xi32>
    %eq3A_652 = arith.cmpi eq, %iota3A, %eq3A_651 : vector<16xi32>
    %jit3A_653 = arith.constant 77 : i32
    %broadcast_in_dim3A_654 = vector.broadcast %jit3A_653 : i32 to vector<16xi32>
    %select_n3A_655 = arith.select %eq3A_652, %broadcast_in_dim3A_654, %select_n3A_643 : vector<16xi1>, vector<16xi32>
    %eq3A_656 = arith.constant 3 : i32
    %eq3A_657 = vector.broadcast %eq3A_656 : i32 to vector<16xi32>
    %eq3A_658 = arith.cmpi eq, %iota3A, %eq3A_657 : vector<16xi32>
    %jit3A_659 = arith.constant 0.646827638 : f32
    %broadcast_in_dim3A_660 = vector.broadcast %jit3A_659 : f32 to vector<16xf32>
    %select_n3A_661 = arith.select %eq3A_658, %broadcast_in_dim3A_660, %select_n3A_649 : vector<16xi1>, vector<16xf32>
    %eq3A_662 = arith.constant 4 : i32
    %eq3A_663 = vector.broadcast %eq3A_662 : i32 to vector<16xi32>
    %eq3A_664 = arith.cmpi eq, %iota3A, %eq3A_663 : vector<16xi32>
    %jit3A_665 = arith.constant 852 : i32
    %broadcast_in_dim3A_666 = vector.broadcast %jit3A_665 : i32 to vector<16xi32>
    %select_n3A_667 = arith.select %eq3A_664, %broadcast_in_dim3A_666, %select_n3A_655 : vector<16xi1>, vector<16xi32>
    %eq3A_668 = arith.constant 4 : i32
    %eq3A_669 = vector.broadcast %eq3A_668 : i32 to vector<16xi32>
    %eq3A_670 = arith.cmpi eq, %iota3A, %eq3A_669 : vector<16xi32>
    %jit3A_671 = arith.constant 0.509154916 : f32
    %broadcast_in_dim3A_672 = vector.broadcast %jit3A_671 : f32 to vector<16xf32>
    %select_n3A_673 = arith.select %eq3A_670, %broadcast_in_dim3A_672, %select_n3A_661 : vector<16xi1>, vector<16xf32>
    %eq3A_674 = arith.constant 5 : i32
    %eq3A_675 = vector.broadcast %eq3A_674 : i32 to vector<16xi32>
    %eq3A_676 = arith.cmpi eq, %iota3A, %eq3A_675 : vector<16xi32>
    %jit3A_677 = arith.constant 579 : i32
    %broadcast_in_dim3A_678 = vector.broadcast %jit3A_677 : i32 to vector<16xi32>
    %select_n3A_679 = arith.select %eq3A_676, %broadcast_in_dim3A_678, %select_n3A_667 : vector<16xi1>, vector<16xi32>
    %eq3A_680 = arith.constant 5 : i32
    %eq3A_681 = vector.broadcast %eq3A_680 : i32 to vector<16xi32>
    %eq3A_682 = arith.cmpi eq, %iota3A, %eq3A_681 : vector<16xi32>
    %jit3A_683 = arith.constant 0.529206395 : f32
    %broadcast_in_dim3A_684 = vector.broadcast %jit3A_683 : f32 to vector<16xf32>
    %select_n3A_685 = arith.select %eq3A_682, %broadcast_in_dim3A_684, %select_n3A_673 : vector<16xi1>, vector<16xf32>
    %eq3A_686 = arith.constant 6 : i32
    %eq3A_687 = vector.broadcast %eq3A_686 : i32 to vector<16xi32>
    %eq3A_688 = arith.cmpi eq, %iota3A, %eq3A_687 : vector<16xi32>
    %jit3A_689 = arith.constant 65 : i32
    %broadcast_in_dim3A_690 = vector.broadcast %jit3A_689 : i32 to vector<16xi32>
    %select_n3A_691 = arith.select %eq3A_688, %broadcast_in_dim3A_690, %select_n3A_679 : vector<16xi1>, vector<16xi32>
    %eq3A_692 = arith.constant 6 : i32
    %eq3A_693 = vector.broadcast %eq3A_692 : i32 to vector<16xi32>
    %eq3A_694 = arith.cmpi eq, %iota3A, %eq3A_693 : vector<16xi32>
    %jit3A_695 = arith.constant 0.6577245 : f32
    %broadcast_in_dim3A_696 = vector.broadcast %jit3A_695 : f32 to vector<16xf32>
    %select_n3A_697 = arith.select %eq3A_694, %broadcast_in_dim3A_696, %select_n3A_685 : vector<16xi1>, vector<16xf32>
    %eq3A_698 = arith.constant 7 : i32
    %eq3A_699 = vector.broadcast %eq3A_698 : i32 to vector<16xi32>
    %eq3A_700 = arith.cmpi eq, %iota3A, %eq3A_699 : vector<16xi32>
    %jit3A_701 = arith.constant 9 : i32
    %broadcast_in_dim3A_702 = vector.broadcast %jit3A_701 : i32 to vector<16xi32>
    %select_n3A_703 = arith.select %eq3A_700, %broadcast_in_dim3A_702, %select_n3A_691 : vector<16xi1>, vector<16xi32>
    %eq3A_704 = arith.constant 7 : i32
    %eq3A_705 = vector.broadcast %eq3A_704 : i32 to vector<16xi32>
    %eq3A_706 = arith.cmpi eq, %iota3A, %eq3A_705 : vector<16xi32>
    %jit3A_707 = arith.constant 0.794327914 : f32
    %broadcast_in_dim3A_708 = vector.broadcast %jit3A_707 : f32 to vector<16xf32>
    %select_n3A_709 = arith.select %eq3A_706, %broadcast_in_dim3A_708, %select_n3A_697 : vector<16xi1>, vector<16xf32>
    %eq3A_710 = arith.constant 8 : i32
    %eq3A_711 = vector.broadcast %eq3A_710 : i32 to vector<16xi32>
    %eq3A_712 = arith.cmpi eq, %iota3A, %eq3A_711 : vector<16xi32>
    %jit3A_713 = arith.constant 35 : i32
    %broadcast_in_dim3A_714 = vector.broadcast %jit3A_713 : i32 to vector<16xi32>
    %select_n3A_715 = arith.select %eq3A_712, %broadcast_in_dim3A_714, %select_n3A_703 : vector<16xi1>, vector<16xi32>
    %eq3A_716 = arith.constant 8 : i32
    %eq3A_717 = vector.broadcast %eq3A_716 : i32 to vector<16xi32>
    %eq3A_718 = arith.cmpi eq, %iota3A, %eq3A_717 : vector<16xi32>
    %jit3A_719 = arith.constant 6.988260e-01 : f32
    %broadcast_in_dim3A_720 = vector.broadcast %jit3A_719 : f32 to vector<16xf32>
    %select_n3A_721 = arith.select %eq3A_718, %broadcast_in_dim3A_720, %select_n3A_709 : vector<16xi1>, vector<16xf32>
    %eq3A_722 = arith.constant 9 : i32
    %eq3A_723 = vector.broadcast %eq3A_722 : i32 to vector<16xi32>
    %eq3A_724 = arith.cmpi eq, %iota3A, %eq3A_723 : vector<16xi32>
    %jit3A_725 = arith.constant 306 : i32
    %broadcast_in_dim3A_726 = vector.broadcast %jit3A_725 : i32 to vector<16xi32>
    %select_n3A_727 = arith.select %eq3A_724, %broadcast_in_dim3A_726, %select_n3A_715 : vector<16xi1>, vector<16xi32>
    %eq3A_728 = arith.constant 9 : i32
    %eq3A_729 = vector.broadcast %eq3A_728 : i32 to vector<16xi32>
    %eq3A_730 = arith.cmpi eq, %iota3A, %eq3A_729 : vector<16xi32>
    %jit3A_731 = arith.constant 0.563991964 : f32
    %broadcast_in_dim3A_732 = vector.broadcast %jit3A_731 : f32 to vector<16xf32>
    %select_n3A_733 = arith.select %eq3A_730, %broadcast_in_dim3A_732, %select_n3A_721 : vector<16xi1>, vector<16xf32>
    %eq3A_734 = arith.constant 10 : i32
    %eq3A_735 = vector.broadcast %eq3A_734 : i32 to vector<16xi32>
    %eq3A_736 = arith.cmpi eq, %iota3A, %eq3A_735 : vector<16xi32>
    %jit3A_737 = arith.constant 22 : i32
    %broadcast_in_dim3A_738 = vector.broadcast %jit3A_737 : i32 to vector<16xi32>
    %select_n3A_739 = arith.select %eq3A_736, %broadcast_in_dim3A_738, %select_n3A_727 : vector<16xi1>, vector<16xi32>
    %eq3A_740 = arith.constant 10 : i32
    %eq3A_741 = vector.broadcast %eq3A_740 : i32 to vector<16xi32>
    %eq3A_742 = arith.cmpi eq, %iota3A, %eq3A_741 : vector<16xi32>
    %jit3A_743 = arith.constant 0.730847597 : f32
    %broadcast_in_dim3A_744 = vector.broadcast %jit3A_743 : f32 to vector<16xf32>
    %select_n3A_745 = arith.select %eq3A_742, %broadcast_in_dim3A_744, %select_n3A_733 : vector<16xi1>, vector<16xf32>
    %eq3A_746 = arith.constant 11 : i32
    %eq3A_747 = vector.broadcast %eq3A_746 : i32 to vector<16xi32>
    %eq3A_748 = arith.cmpi eq, %iota3A, %eq3A_747 : vector<16xi32>
    %jit3A_749 = arith.constant 88 : i32
    %broadcast_in_dim3A_750 = vector.broadcast %jit3A_749 : i32 to vector<16xi32>
    %select_n3A_751 = arith.select %eq3A_748, %broadcast_in_dim3A_750, %select_n3A_739 : vector<16xi1>, vector<16xi32>
    %eq3A_752 = arith.constant 11 : i32
    %eq3A_753 = vector.broadcast %eq3A_752 : i32 to vector<16xi32>
    %eq3A_754 = arith.cmpi eq, %iota3A, %eq3A_753 : vector<16xi32>
    %jit3A_755 = arith.constant 0.638349652 : f32
    %broadcast_in_dim3A_756 = vector.broadcast %jit3A_755 : f32 to vector<16xf32>
    %select_n3A_757 = arith.select %eq3A_754, %broadcast_in_dim3A_756, %select_n3A_745 : vector<16xi1>, vector<16xf32>
    %eq3A_758 = arith.constant 12 : i32
    %eq3A_759 = vector.broadcast %eq3A_758 : i32 to vector<16xi32>
    %eq3A_760 = arith.cmpi eq, %iota3A, %eq3A_759 : vector<16xi32>
    %jit3A_761 = arith.constant 8 : i32
    %broadcast_in_dim3A_762 = vector.broadcast %jit3A_761 : i32 to vector<16xi32>
    %select_n3A_763 = arith.select %eq3A_760, %broadcast_in_dim3A_762, %select_n3A_751 : vector<16xi1>, vector<16xi32>
    %eq3A_764 = arith.constant 12 : i32
    %eq3A_765 = vector.broadcast %eq3A_764 : i32 to vector<16xi32>
    %eq3A_766 = arith.cmpi eq, %iota3A, %eq3A_765 : vector<16xi32>
    %jit3A_767 = arith.constant 0.802741348 : f32
    %broadcast_in_dim3A_768 = vector.broadcast %jit3A_767 : f32 to vector<16xf32>
    %select_n3A_769 = arith.select %eq3A_766, %broadcast_in_dim3A_768, %select_n3A_757 : vector<16xi1>, vector<16xf32>
    %eq3A_770 = arith.constant 13 : i32
    %eq3A_771 = vector.broadcast %eq3A_770 : i32 to vector<16xi32>
    %eq3A_772 = arith.cmpi eq, %iota3A, %eq3A_771 : vector<16xi32>
    %jit3A_773 = arith.constant 339 : i32
    %broadcast_in_dim3A_774 = vector.broadcast %jit3A_773 : i32 to vector<16xi32>
    %select_n3A_775 = arith.select %eq3A_772, %broadcast_in_dim3A_774, %select_n3A_763 : vector<16xi1>, vector<16xi32>
    %eq3A_776 = arith.constant 13 : i32
    %eq3A_777 = vector.broadcast %eq3A_776 : i32 to vector<16xi32>
    %eq3A_778 = arith.cmpi eq, %iota3A, %eq3A_777 : vector<16xi32>
    %jit3A_779 = arith.constant 0.558260441 : f32
    %broadcast_in_dim3A_780 = vector.broadcast %jit3A_779 : f32 to vector<16xf32>
    %select_n3A_781 = arith.select %eq3A_778, %broadcast_in_dim3A_780, %select_n3A_769 : vector<16xi1>, vector<16xf32>
    %eq3A_782 = arith.constant 14 : i32
    %eq3A_783 = vector.broadcast %eq3A_782 : i32 to vector<16xi32>
    %eq3A_784 = arith.cmpi eq, %iota3A, %eq3A_783 : vector<16xi32>
    %jit3A_785 = arith.constant 2268 : i32
    %broadcast_in_dim3A_786 = vector.broadcast %jit3A_785 : i32 to vector<16xi32>
    %select_n3A_787 = arith.select %eq3A_784, %broadcast_in_dim3A_786, %select_n3A_775 : vector<16xi1>, vector<16xi32>
    %eq3A_788 = arith.constant 14 : i32
    %eq3A_789 = vector.broadcast %eq3A_788 : i32 to vector<16xi32>
    %eq3A_790 = arith.cmpi eq, %iota3A, %eq3A_789 : vector<16xi32>
    %jit3A_791 = arith.constant 0.461529791 : f32
    %broadcast_in_dim3A_792 = vector.broadcast %jit3A_791 : f32 to vector<16xf32>
    %select_n3A_793 = arith.select %eq3A_790, %broadcast_in_dim3A_792, %select_n3A_781 : vector<16xi1>, vector<16xf32>
    %eq3A_794 = arith.constant 15 : i32
    %eq3A_795 = vector.broadcast %eq3A_794 : i32 to vector<16xi32>
    %eq3A_796 = arith.cmpi eq, %iota3A, %eq3A_795 : vector<16xi32>
    %jit3A_797 = arith.constant 23 : i32
    %broadcast_in_dim3A_798 = vector.broadcast %jit3A_797 : i32 to vector<16xi32>
    %select_n3A_799 = arith.select %eq3A_796, %broadcast_in_dim3A_798, %select_n3A_787 : vector<16xi1>, vector<16xi32>
    %eq3A_800 = arith.constant 15 : i32
    %eq3A_801 = vector.broadcast %eq3A_800 : i32 to vector<16xi32>
    %eq3A_802 = arith.cmpi eq, %iota3A, %eq3A_801 : vector<16xi32>
    %jit3A_803 = arith.constant 0.727743745 : f32
    %broadcast_in_dim3A_804 = vector.broadcast %jit3A_803 : f32 to vector<16xf32>
    %select_n3A_805 = arith.select %eq3A_802, %broadcast_in_dim3A_804, %select_n3A_793 : vector<16xi1>, vector<16xf32>
    %broadcast_in_dim3A_806 = arith.constant 0 : i32
    %broadcast_in_dim3A_807 = vector.broadcast %broadcast_in_dim3A_806 : i32 to vector<16xi32>
    %broadcast_in_dim3A_808 = arith.constant 0.000000e+00 : f32
    %broadcast_in_dim3A_809 = vector.broadcast %broadcast_in_dim3A_808 : f32 to vector<16xf32>
    %eq3A_810 = arith.constant 0 : i32
    %eq3A_811 = vector.broadcast %eq3A_810 : i32 to vector<16xi32>
    %eq3A_812 = arith.cmpi eq, %iota3A, %eq3A_811 : vector<16xi32>
    %jit3A_813 = arith.constant 2226 : i32
    %broadcast_in_dim3A_814 = vector.broadcast %jit3A_813 : i32 to vector<16xi32>
    %select_n3A_815 = arith.select %eq3A_812, %broadcast_in_dim3A_814, %broadcast_in_dim3A_807 : vector<16xi1>, vector<16xi32>
    %eq3A_816 = arith.constant 0 : i32
    %eq3A_817 = vector.broadcast %eq3A_816 : i32 to vector<16xi32>
    %eq3A_818 = arith.cmpi eq, %iota3A, %eq3A_817 : vector<16xi32>
    %jit3A_819 = arith.constant 0.462398887 : f32
    %broadcast_in_dim3A_820 = vector.broadcast %jit3A_819 : f32 to vector<16xf32>
    %select_n3A_821 = arith.select %eq3A_818, %broadcast_in_dim3A_820, %broadcast_in_dim3A_809 : vector<16xi1>, vector<16xf32>
    %eq3A_822 = arith.constant 1 : i32
    %eq3A_823 = vector.broadcast %eq3A_822 : i32 to vector<16xi32>
    %eq3A_824 = arith.cmpi eq, %iota3A, %eq3A_823 : vector<16xi32>
    %jit3A_825 = arith.constant 37 : i32
    %broadcast_in_dim3A_826 = vector.broadcast %jit3A_825 : i32 to vector<16xi32>
    %select_n3A_827 = arith.select %eq3A_824, %broadcast_in_dim3A_826, %select_n3A_815 : vector<16xi1>, vector<16xi32>
    %eq3A_828 = arith.constant 1 : i32
    %eq3A_829 = vector.broadcast %eq3A_828 : i32 to vector<16xi32>
    %eq3A_830 = arith.cmpi eq, %iota3A, %eq3A_829 : vector<16xi32>
    %jit3A_831 = arith.constant 0.69505775 : f32
    %broadcast_in_dim3A_832 = vector.broadcast %jit3A_831 : f32 to vector<16xf32>
    %select_n3A_833 = arith.select %eq3A_830, %broadcast_in_dim3A_832, %select_n3A_821 : vector<16xi1>, vector<16xf32>
    %eq3A_834 = arith.constant 2 : i32
    %eq3A_835 = vector.broadcast %eq3A_834 : i32 to vector<16xi32>
    %eq3A_836 = arith.cmpi eq, %iota3A, %eq3A_835 : vector<16xi32>
    %jit3A_837 = arith.constant 300 : i32
    %broadcast_in_dim3A_838 = vector.broadcast %jit3A_837 : i32 to vector<16xi32>
    %select_n3A_839 = arith.select %eq3A_836, %broadcast_in_dim3A_838, %select_n3A_827 : vector<16xi1>, vector<16xi32>
    %eq3A_840 = arith.constant 2 : i32
    %eq3A_841 = vector.broadcast %eq3A_840 : i32 to vector<16xi32>
    %eq3A_842 = arith.cmpi eq, %iota3A, %eq3A_841 : vector<16xi32>
    %jit3A_843 = arith.constant 0.56510675 : f32
    %broadcast_in_dim3A_844 = vector.broadcast %jit3A_843 : f32 to vector<16xf32>
    %select_n3A_845 = arith.select %eq3A_842, %broadcast_in_dim3A_844, %select_n3A_833 : vector<16xi1>, vector<16xf32>
    %eq3A_846 = arith.constant 3 : i32
    %eq3A_847 = vector.broadcast %eq3A_846 : i32 to vector<16xi32>
    %eq3A_848 = arith.cmpi eq, %iota3A, %eq3A_847 : vector<16xi32>
    %jit3A_849 = arith.constant 56 : i32
    %broadcast_in_dim3A_850 = vector.broadcast %jit3A_849 : i32 to vector<16xi32>
    %select_n3A_851 = arith.select %eq3A_848, %broadcast_in_dim3A_850, %select_n3A_839 : vector<16xi1>, vector<16xi32>
    %eq3A_852 = arith.constant 3 : i32
    %eq3A_853 = vector.broadcast %eq3A_852 : i32 to vector<16xi32>
    %eq3A_854 = arith.cmpi eq, %iota3A, %eq3A_853 : vector<16xi32>
    %jit3A_855 = arith.constant 0.667438507 : f32
    %broadcast_in_dim3A_856 = vector.broadcast %jit3A_855 : f32 to vector<16xf32>
    %select_n3A_857 = arith.select %eq3A_854, %broadcast_in_dim3A_856, %select_n3A_845 : vector<16xi1>, vector<16xf32>
    %eq3A_858 = arith.constant 4 : i32
    %eq3A_859 = vector.broadcast %eq3A_858 : i32 to vector<16xi32>
    %eq3A_860 = arith.cmpi eq, %iota3A, %eq3A_859 : vector<16xi32>
    %jit3A_861 = arith.constant 248 : i32
    %broadcast_in_dim3A_862 = vector.broadcast %jit3A_861 : i32 to vector<16xi32>
    %select_n3A_863 = arith.select %eq3A_860, %broadcast_in_dim3A_862, %select_n3A_851 : vector<16xi1>, vector<16xi32>
    %eq3A_864 = arith.constant 4 : i32
    %eq3A_865 = vector.broadcast %eq3A_864 : i32 to vector<16xi32>
    %eq3A_866 = arith.cmpi eq, %iota3A, %eq3A_865 : vector<16xi32>
    %jit3A_867 = arith.constant 0.575930655 : f32
    %broadcast_in_dim3A_868 = vector.broadcast %jit3A_867 : f32 to vector<16xf32>
    %select_n3A_869 = arith.select %eq3A_866, %broadcast_in_dim3A_868, %select_n3A_857 : vector<16xi1>, vector<16xf32>
    %eq3A_870 = arith.constant 5 : i32
    %eq3A_871 = vector.broadcast %eq3A_870 : i32 to vector<16xi32>
    %eq3A_872 = arith.cmpi eq, %iota3A, %eq3A_871 : vector<16xi32>
    %jit3A_873 = arith.constant 843 : i32
    %broadcast_in_dim3A_874 = vector.broadcast %jit3A_873 : i32 to vector<16xi32>
    %select_n3A_875 = arith.select %eq3A_872, %broadcast_in_dim3A_874, %select_n3A_863 : vector<16xi1>, vector<16xi32>
    %eq3A_876 = arith.constant 5 : i32
    %eq3A_877 = vector.broadcast %eq3A_876 : i32 to vector<16xi32>
    %eq3A_878 = arith.cmpi eq, %iota3A, %eq3A_877 : vector<16xi32>
    %jit3A_879 = arith.constant 0.509696245 : f32
    %broadcast_in_dim3A_880 = vector.broadcast %jit3A_879 : f32 to vector<16xf32>
    %select_n3A_881 = arith.select %eq3A_878, %broadcast_in_dim3A_880, %select_n3A_869 : vector<16xi1>, vector<16xf32>
    %eq3A_882 = arith.constant 6 : i32
    %eq3A_883 = vector.broadcast %eq3A_882 : i32 to vector<16xi32>
    %eq3A_884 = arith.cmpi eq, %iota3A, %eq3A_883 : vector<16xi32>
    %jit3A_885 = arith.constant 183 : i32
    %broadcast_in_dim3A_886 = vector.broadcast %jit3A_885 : i32 to vector<16xi32>
    %select_n3A_887 = arith.select %eq3A_884, %broadcast_in_dim3A_886, %select_n3A_875 : vector<16xi1>, vector<16xi32>
    %eq3A_888 = arith.constant 6 : i32
    %eq3A_889 = vector.broadcast %eq3A_888 : i32 to vector<16xi32>
    %eq3A_890 = arith.cmpi eq, %iota3A, %eq3A_889 : vector<16xi32>
    %jit3A_891 = arith.constant 0.593624413 : f32
    %broadcast_in_dim3A_892 = vector.broadcast %jit3A_891 : f32 to vector<16xf32>
    %select_n3A_893 = arith.select %eq3A_890, %broadcast_in_dim3A_892, %select_n3A_881 : vector<16xi1>, vector<16xf32>
    %eq3A_894 = arith.constant 7 : i32
    %eq3A_895 = vector.broadcast %eq3A_894 : i32 to vector<16xi32>
    %eq3A_896 = arith.cmpi eq, %iota3A, %eq3A_895 : vector<16xi32>
    %jit3A_897 = arith.constant 314 : i32
    %broadcast_in_dim3A_898 = vector.broadcast %jit3A_897 : i32 to vector<16xi32>
    %select_n3A_899 = arith.select %eq3A_896, %broadcast_in_dim3A_898, %select_n3A_887 : vector<16xi1>, vector<16xi32>
    %eq3A_900 = arith.constant 7 : i32
    %eq3A_901 = vector.broadcast %eq3A_900 : i32 to vector<16xi32>
    %eq3A_902 = arith.cmpi eq, %iota3A, %eq3A_901 : vector<16xi32>
    %jit3A_903 = arith.constant 0.562542319 : f32
    %broadcast_in_dim3A_904 = vector.broadcast %jit3A_903 : f32 to vector<16xf32>
    %select_n3A_905 = arith.select %eq3A_902, %broadcast_in_dim3A_904, %select_n3A_893 : vector<16xi1>, vector<16xf32>
    %eq3A_906 = arith.constant 8 : i32
    %eq3A_907 = vector.broadcast %eq3A_906 : i32 to vector<16xi32>
    %eq3A_908 = arith.cmpi eq, %iota3A, %eq3A_907 : vector<16xi32>
    %jit3A_909 = arith.constant 664 : i32
    %broadcast_in_dim3A_910 = vector.broadcast %jit3A_909 : i32 to vector<16xi32>
    %select_n3A_911 = arith.select %eq3A_908, %broadcast_in_dim3A_910, %select_n3A_899 : vector<16xi1>, vector<16xi32>
    %eq3A_912 = arith.constant 8 : i32
    %eq3A_913 = vector.broadcast %eq3A_912 : i32 to vector<16xi32>
    %eq3A_914 = arith.cmpi eq, %iota3A, %eq3A_913 : vector<16xi32>
    %jit3A_915 = arith.constant 0.522010088 : f32
    %broadcast_in_dim3A_916 = vector.broadcast %jit3A_915 : f32 to vector<16xf32>
    %select_n3A_917 = arith.select %eq3A_914, %broadcast_in_dim3A_916, %select_n3A_905 : vector<16xi1>, vector<16xf32>
    %eq3A_918 = arith.constant 9 : i32
    %eq3A_919 = vector.broadcast %eq3A_918 : i32 to vector<16xi32>
    %eq3A_920 = arith.cmpi eq, %iota3A, %eq3A_919 : vector<16xi32>
    %jit3A_921 = arith.constant 706 : i32
    %broadcast_in_dim3A_922 = vector.broadcast %jit3A_921 : i32 to vector<16xi32>
    %select_n3A_923 = arith.select %eq3A_920, %broadcast_in_dim3A_922, %select_n3A_911 : vector<16xi1>, vector<16xi32>
    %eq3A_924 = arith.constant 9 : i32
    %eq3A_925 = vector.broadcast %eq3A_924 : i32 to vector<16xi32>
    %eq3A_926 = arith.cmpi eq, %iota3A, %eq3A_925 : vector<16xi32>
    %jit3A_927 = arith.constant 0.518818676 : f32
    %broadcast_in_dim3A_928 = vector.broadcast %jit3A_927 : f32 to vector<16xf32>
    %select_n3A_929 = arith.select %eq3A_926, %broadcast_in_dim3A_928, %select_n3A_917 : vector<16xi1>, vector<16xf32>
    %eq3A_930 = arith.constant 10 : i32
    %eq3A_931 = vector.broadcast %eq3A_930 : i32 to vector<16xi32>
    %eq3A_932 = arith.cmpi eq, %iota3A, %eq3A_931 : vector<16xi32>
    %jit3A_933 = arith.constant 395 : i32
    %broadcast_in_dim3A_934 = vector.broadcast %jit3A_933 : i32 to vector<16xi32>
    %select_n3A_935 = arith.select %eq3A_932, %broadcast_in_dim3A_934, %select_n3A_923 : vector<16xi1>, vector<16xi32>
    %eq3A_936 = arith.constant 10 : i32
    %eq3A_937 = vector.broadcast %eq3A_936 : i32 to vector<16xi32>
    %eq3A_938 = arith.cmpi eq, %iota3A, %eq3A_937 : vector<16xi32>
    %jit3A_939 = arith.constant 0.549808681 : f32
    %broadcast_in_dim3A_940 = vector.broadcast %jit3A_939 : f32 to vector<16xf32>
    %select_n3A_941 = arith.select %eq3A_938, %broadcast_in_dim3A_940, %select_n3A_929 : vector<16xi1>, vector<16xf32>
    %eq3A_942 = arith.constant 11 : i32
    %eq3A_943 = vector.broadcast %eq3A_942 : i32 to vector<16xi32>
    %eq3A_944 = arith.cmpi eq, %iota3A, %eq3A_943 : vector<16xi32>
    %jit3A_945 = arith.constant 69 : i32
    %broadcast_in_dim3A_946 = vector.broadcast %jit3A_945 : i32 to vector<16xi32>
    %select_n3A_947 = arith.select %eq3A_944, %broadcast_in_dim3A_946, %select_n3A_935 : vector<16xi1>, vector<16xi32>
    %eq3A_948 = arith.constant 11 : i32
    %eq3A_949 = vector.broadcast %eq3A_948 : i32 to vector<16xi32>
    %eq3A_950 = arith.cmpi eq, %iota3A, %eq3A_949 : vector<16xi32>
    %jit3A_951 = arith.constant 0.653865576 : f32
    %broadcast_in_dim3A_952 = vector.broadcast %jit3A_951 : f32 to vector<16xf32>
    %select_n3A_953 = arith.select %eq3A_950, %broadcast_in_dim3A_952, %select_n3A_941 : vector<16xi1>, vector<16xf32>
    %eq3A_954 = arith.constant 12 : i32
    %eq3A_955 = vector.broadcast %eq3A_954 : i32 to vector<16xi32>
    %eq3A_956 = arith.cmpi eq, %iota3A, %eq3A_955 : vector<16xi32>
    %jit3A_957 = arith.constant 13 : i32
    %broadcast_in_dim3A_958 = vector.broadcast %jit3A_957 : i32 to vector<16xi32>
    %select_n3A_959 = arith.select %eq3A_956, %broadcast_in_dim3A_958, %select_n3A_947 : vector<16xi1>, vector<16xi32>
    %eq3A_960 = arith.constant 12 : i32
    %eq3A_961 = vector.broadcast %eq3A_960 : i32 to vector<16xi32>
    %eq3A_962 = arith.cmpi eq, %iota3A, %eq3A_961 : vector<16xi32>
    %jit3A_963 = arith.constant 0.768045544 : f32
    %broadcast_in_dim3A_964 = vector.broadcast %jit3A_963 : f32 to vector<16xf32>
    %select_n3A_965 = arith.select %eq3A_962, %broadcast_in_dim3A_964, %select_n3A_953 : vector<16xi1>, vector<16xf32>
    %eq3A_966 = arith.constant 13 : i32
    %eq3A_967 = vector.broadcast %eq3A_966 : i32 to vector<16xi32>
    %eq3A_968 = arith.cmpi eq, %iota3A, %eq3A_967 : vector<16xi32>
    %jit3A_969 = arith.constant 321 : i32
    %broadcast_in_dim3A_970 = vector.broadcast %jit3A_969 : i32 to vector<16xi32>
    %select_n3A_971 = arith.select %eq3A_968, %broadcast_in_dim3A_970, %select_n3A_959 : vector<16xi1>, vector<16xi32>
    %eq3A_972 = arith.constant 13 : i32
    %eq3A_973 = vector.broadcast %eq3A_972 : i32 to vector<16xi32>
    %eq3A_974 = arith.cmpi eq, %iota3A, %eq3A_973 : vector<16xi32>
    %jit3A_975 = arith.constant 0.561306715 : f32
    %broadcast_in_dim3A_976 = vector.broadcast %jit3A_975 : f32 to vector<16xf32>
    %select_n3A_977 = arith.select %eq3A_974, %broadcast_in_dim3A_976, %select_n3A_965 : vector<16xi1>, vector<16xf32>
    %eq3A_978 = arith.constant 14 : i32
    %eq3A_979 = vector.broadcast %eq3A_978 : i32 to vector<16xi32>
    %eq3A_980 = arith.cmpi eq, %iota3A, %eq3A_979 : vector<16xi32>
    %jit3A_981 = arith.constant 107 : i32
    %broadcast_in_dim3A_982 = vector.broadcast %jit3A_981 : i32 to vector<16xi32>
    %select_n3A_983 = arith.select %eq3A_980, %broadcast_in_dim3A_982, %select_n3A_971 : vector<16xi1>, vector<16xi32>
    %eq3A_984 = arith.constant 14 : i32
    %eq3A_985 = vector.broadcast %eq3A_984 : i32 to vector<16xi32>
    %eq3A_986 = arith.cmpi eq, %iota3A, %eq3A_985 : vector<16xi32>
    %jit3A_987 = arith.constant 0.626115561 : f32
    %broadcast_in_dim3A_988 = vector.broadcast %jit3A_987 : f32 to vector<16xf32>
    %select_n3A_989 = arith.select %eq3A_986, %broadcast_in_dim3A_988, %select_n3A_977 : vector<16xi1>, vector<16xf32>
    %eq3A_990 = arith.constant 15 : i32
    %eq3A_991 = vector.broadcast %eq3A_990 : i32 to vector<16xi32>
    %eq3A_992 = arith.cmpi eq, %iota3A, %eq3A_991 : vector<16xi32>
    %jit3A_993 = arith.constant 511 : i32
    %broadcast_in_dim3A_994 = vector.broadcast %jit3A_993 : i32 to vector<16xi32>
    %select_n3A_995 = arith.select %eq3A_992, %broadcast_in_dim3A_994, %select_n3A_983 : vector<16xi1>, vector<16xi32>
    %eq3A_996 = arith.constant 15 : i32
    %eq3A_997 = vector.broadcast %eq3A_996 : i32 to vector<16xi32>
    %eq3A_998 = arith.cmpi eq, %iota3A, %eq3A_997 : vector<16xi32>
    %jit3A_999 = arith.constant 0.535853386 : f32
    %broadcast_in_dim3A_1000 = vector.broadcast %jit3A_999 : f32 to vector<16xf32>
    %select_n3A_1001 = arith.select %eq3A_998, %broadcast_in_dim3A_1000, %select_n3A_989 : vector<16xi1>, vector<16xf32>
    %broadcast_in_dim3A_1002 = arith.constant 0 : i32
    %broadcast_in_dim3A_1003 = vector.broadcast %broadcast_in_dim3A_1002 : i32 to vector<16xi32>
    %broadcast_in_dim3A_1004 = arith.constant 0.000000e+00 : f32
    %broadcast_in_dim3A_1005 = vector.broadcast %broadcast_in_dim3A_1004 : f32 to vector<16xf32>
    %eq3A_1006 = arith.constant 0 : i32
    %eq3A_1007 = vector.broadcast %eq3A_1006 : i32 to vector<16xi32>
    %eq3A_1008 = arith.cmpi eq, %iota3A, %eq3A_1007 : vector<16xi32>
    %jit3A_1009 = arith.constant 85 : i32
    %broadcast_in_dim3A_1010 = vector.broadcast %jit3A_1009 : i32 to vector<16xi32>
    %select_n3A_1011 = arith.select %eq3A_1008, %broadcast_in_dim3A_1010, %broadcast_in_dim3A_1003 : vector<16xi1>, vector<16xi32>
    %eq3A_1012 = arith.constant 0 : i32
    %eq3A_1013 = vector.broadcast %eq3A_1012 : i32 to vector<16xi32>
    %eq3A_1014 = arith.cmpi eq, %iota3A, %eq3A_1013 : vector<16xi32>
    %jit3A_1015 = arith.constant 0.640542447 : f32
    %broadcast_in_dim3A_1016 = vector.broadcast %jit3A_1015 : f32 to vector<16xf32>
    %select_n3A_1017 = arith.select %eq3A_1014, %broadcast_in_dim3A_1016, %broadcast_in_dim3A_1005 : vector<16xi1>, vector<16xf32>
    %eq3A_1018 = arith.constant 1 : i32
    %eq3A_1019 = vector.broadcast %eq3A_1018 : i32 to vector<16xi32>
    %eq3A_1020 = arith.cmpi eq, %iota3A, %eq3A_1019 : vector<16xi32>
    %jit3A_1021 = arith.constant 32 : i32
    %broadcast_in_dim3A_1022 = vector.broadcast %jit3A_1021 : i32 to vector<16xi32>
    %select_n3A_1023 = arith.select %eq3A_1020, %broadcast_in_dim3A_1022, %select_n3A_1011 : vector<16xi1>, vector<16xi32>
    %eq3A_1024 = arith.constant 1 : i32
    %eq3A_1025 = vector.broadcast %eq3A_1024 : i32 to vector<16xi32>
    %eq3A_1026 = arith.cmpi eq, %iota3A, %eq3A_1025 : vector<16xi32>
    %jit3A_1027 = arith.constant 0.704933226 : f32
    %broadcast_in_dim3A_1028 = vector.broadcast %jit3A_1027 : f32 to vector<16xf32>
    %select_n3A_1029 = arith.select %eq3A_1026, %broadcast_in_dim3A_1028, %select_n3A_1017 : vector<16xi1>, vector<16xf32>
    %eq3A_1030 = arith.constant 2 : i32
    %eq3A_1031 = vector.broadcast %eq3A_1030 : i32 to vector<16xi32>
    %eq3A_1032 = arith.cmpi eq, %iota3A, %eq3A_1031 : vector<16xi32>
    %jit3A_1033 = arith.constant 401 : i32
    %broadcast_in_dim3A_1034 = vector.broadcast %jit3A_1033 : i32 to vector<16xi32>
    %select_n3A_1035 = arith.select %eq3A_1032, %broadcast_in_dim3A_1034, %select_n3A_1023 : vector<16xi1>, vector<16xi32>
    %eq3A_1036 = arith.constant 2 : i32
    %eq3A_1037 = vector.broadcast %eq3A_1036 : i32 to vector<16xi32>
    %eq3A_1038 = arith.cmpi eq, %iota3A, %eq3A_1037 : vector<16xi32>
    %jit3A_1039 = arith.constant 5.489820e-01 : f32
    %broadcast_in_dim3A_1040 = vector.broadcast %jit3A_1039 : f32 to vector<16xf32>
    %select_n3A_1041 = arith.select %eq3A_1038, %broadcast_in_dim3A_1040, %select_n3A_1029 : vector<16xi1>, vector<16xf32>
    %eq3A_1042 = arith.constant 3 : i32
    %eq3A_1043 = vector.broadcast %eq3A_1042 : i32 to vector<16xi32>
    %eq3A_1044 = arith.cmpi eq, %iota3A, %eq3A_1043 : vector<16xi32>
    %jit3A_1045 = arith.constant 41 : i32
    %broadcast_in_dim3A_1046 = vector.broadcast %jit3A_1045 : i32 to vector<16xi32>
    %select_n3A_1047 = arith.select %eq3A_1044, %broadcast_in_dim3A_1046, %select_n3A_1035 : vector<16xi1>, vector<16xi32>
    %eq3A_1048 = arith.constant 3 : i32
    %eq3A_1049 = vector.broadcast %eq3A_1048 : i32 to vector<16xi32>
    %eq3A_1050 = arith.cmpi eq, %iota3A, %eq3A_1049 : vector<16xi32>
    %jit3A_1051 = arith.constant 0.688135862 : f32
    %broadcast_in_dim3A_1052 = vector.broadcast %jit3A_1051 : f32 to vector<16xf32>
    %select_n3A_1053 = arith.select %eq3A_1050, %broadcast_in_dim3A_1052, %select_n3A_1041 : vector<16xi1>, vector<16xf32>
    %eq3A_1054 = arith.constant 4 : i32
    %eq3A_1055 = vector.broadcast %eq3A_1054 : i32 to vector<16xi32>
    %eq3A_1056 = arith.cmpi eq, %iota3A, %eq3A_1055 : vector<16xi32>
    %jit3A_1057 = arith.constant 29 : i32
    %broadcast_in_dim3A_1058 = vector.broadcast %jit3A_1057 : i32 to vector<16xi32>
    %select_n3A_1059 = arith.select %eq3A_1056, %broadcast_in_dim3A_1058, %select_n3A_1047 : vector<16xi1>, vector<16xi32>
    %eq3A_1060 = arith.constant 4 : i32
    %eq3A_1061 = vector.broadcast %eq3A_1060 : i32 to vector<16xi32>
    %eq3A_1062 = arith.cmpi eq, %iota3A, %eq3A_1061 : vector<16xi32>
    %jit3A_1063 = arith.constant 0.711684167 : f32
    %broadcast_in_dim3A_1064 = vector.broadcast %jit3A_1063 : f32 to vector<16xf32>
    %select_n3A_1065 = arith.select %eq3A_1062, %broadcast_in_dim3A_1064, %select_n3A_1053 : vector<16xi1>, vector<16xf32>
    %eq3A_1066 = arith.constant 5 : i32
    %eq3A_1067 = vector.broadcast %eq3A_1066 : i32 to vector<16xi32>
    %eq3A_1068 = arith.cmpi eq, %iota3A, %eq3A_1067 : vector<16xi32>
    %jit3A_1069 = arith.constant 332 : i32
    %broadcast_in_dim3A_1070 = vector.broadcast %jit3A_1069 : i32 to vector<16xi32>
    %select_n3A_1071 = arith.select %eq3A_1068, %broadcast_in_dim3A_1070, %select_n3A_1059 : vector<16xi1>, vector<16xi32>
    %eq3A_1072 = arith.constant 5 : i32
    %eq3A_1073 = vector.broadcast %eq3A_1072 : i32 to vector<16xi32>
    %eq3A_1074 = arith.cmpi eq, %iota3A, %eq3A_1073 : vector<16xi32>
    %jit3A_1075 = arith.constant 0.559423506 : f32
    %broadcast_in_dim3A_1076 = vector.broadcast %jit3A_1075 : f32 to vector<16xf32>
    %select_n3A_1077 = arith.select %eq3A_1074, %broadcast_in_dim3A_1076, %select_n3A_1065 : vector<16xi1>, vector<16xf32>
    %eq3A_1078 = arith.constant 6 : i32
    %eq3A_1079 = vector.broadcast %eq3A_1078 : i32 to vector<16xi32>
    %eq3A_1080 = arith.cmpi eq, %iota3A, %eq3A_1079 : vector<16xi32>
    %jit3A_1081 = arith.constant 21 : i32
    %broadcast_in_dim3A_1082 = vector.broadcast %jit3A_1081 : i32 to vector<16xi32>
    %select_n3A_1083 = arith.select %eq3A_1080, %broadcast_in_dim3A_1082, %select_n3A_1071 : vector<16xi1>, vector<16xi32>
    %eq3A_1084 = arith.constant 6 : i32
    %eq3A_1085 = vector.broadcast %eq3A_1084 : i32 to vector<16xi32>
    %eq3A_1086 = arith.cmpi eq, %iota3A, %eq3A_1085 : vector<16xi32>
    %jit3A_1087 = arith.constant 0.73410362 : f32
    %broadcast_in_dim3A_1088 = vector.broadcast %jit3A_1087 : f32 to vector<16xf32>
    %select_n3A_1089 = arith.select %eq3A_1086, %broadcast_in_dim3A_1088, %select_n3A_1077 : vector<16xi1>, vector<16xf32>
    %eq3A_1090 = arith.constant 7 : i32
    %eq3A_1091 = vector.broadcast %eq3A_1090 : i32 to vector<16xi32>
    %eq3A_1092 = arith.cmpi eq, %iota3A, %eq3A_1091 : vector<16xi32>
    %jit3A_1093 = arith.constant 249 : i32
    %broadcast_in_dim3A_1094 = vector.broadcast %jit3A_1093 : i32 to vector<16xi32>
    %select_n3A_1095 = arith.select %eq3A_1092, %broadcast_in_dim3A_1094, %select_n3A_1083 : vector<16xi1>, vector<16xi32>
    %eq3A_1096 = arith.constant 7 : i32
    %eq3A_1097 = vector.broadcast %eq3A_1096 : i32 to vector<16xi32>
    %eq3A_1098 = arith.cmpi eq, %iota3A, %eq3A_1097 : vector<16xi32>
    %jit3A_1099 = arith.constant 0.575699806 : f32
    %broadcast_in_dim3A_1100 = vector.broadcast %jit3A_1099 : f32 to vector<16xf32>
    %select_n3A_1101 = arith.select %eq3A_1098, %broadcast_in_dim3A_1100, %select_n3A_1089 : vector<16xi1>, vector<16xf32>
    %eq3A_1102 = arith.constant 8 : i32
    %eq3A_1103 = vector.broadcast %eq3A_1102 : i32 to vector<16xi32>
    %eq3A_1104 = arith.cmpi eq, %iota3A, %eq3A_1103 : vector<16xi32>
    %jit3A_1105 = arith.constant 410 : i32
    %broadcast_in_dim3A_1106 = vector.broadcast %jit3A_1105 : i32 to vector<16xi32>
    %select_n3A_1107 = arith.select %eq3A_1104, %broadcast_in_dim3A_1106, %select_n3A_1095 : vector<16xi1>, vector<16xi32>
    %eq3A_1108 = arith.constant 8 : i32
    %eq3A_1109 = vector.broadcast %eq3A_1108 : i32 to vector<16xi32>
    %eq3A_1110 = arith.cmpi eq, %iota3A, %eq3A_1109 : vector<16xi32>
    %jit3A_1111 = arith.constant 0.547767103 : f32
    %broadcast_in_dim3A_1112 = vector.broadcast %jit3A_1111 : f32 to vector<16xf32>
    %select_n3A_1113 = arith.select %eq3A_1110, %broadcast_in_dim3A_1112, %select_n3A_1101 : vector<16xi1>, vector<16xf32>
    %eq3A_1114 = arith.constant 9 : i32
    %eq3A_1115 = vector.broadcast %eq3A_1114 : i32 to vector<16xi32>
    %eq3A_1116 = arith.cmpi eq, %iota3A, %eq3A_1115 : vector<16xi32>
    %jit3A_1117 = arith.constant 33 : i32
    %broadcast_in_dim3A_1118 = vector.broadcast %jit3A_1117 : i32 to vector<16xi32>
    %select_n3A_1119 = arith.select %eq3A_1116, %broadcast_in_dim3A_1118, %select_n3A_1107 : vector<16xi1>, vector<16xi32>
    %eq3A_1120 = arith.constant 9 : i32
    %eq3A_1121 = vector.broadcast %eq3A_1120 : i32 to vector<16xi32>
    %eq3A_1122 = arith.cmpi eq, %iota3A, %eq3A_1121 : vector<16xi32>
    %jit3A_1123 = arith.constant 0.702831923 : f32
    %broadcast_in_dim3A_1124 = vector.broadcast %jit3A_1123 : f32 to vector<16xf32>
    %select_n3A_1125 = arith.select %eq3A_1122, %broadcast_in_dim3A_1124, %select_n3A_1113 : vector<16xi1>, vector<16xf32>
    %eq3A_1126 = arith.constant 10 : i32
    %eq3A_1127 = vector.broadcast %eq3A_1126 : i32 to vector<16xi32>
    %eq3A_1128 = arith.cmpi eq, %iota3A, %eq3A_1127 : vector<16xi32>
    %jit3A_1129 = arith.constant 560 : i32
    %broadcast_in_dim3A_1130 = vector.broadcast %jit3A_1129 : i32 to vector<16xi32>
    %select_n3A_1131 = arith.select %eq3A_1128, %broadcast_in_dim3A_1130, %select_n3A_1119 : vector<16xi1>, vector<16xi32>
    %eq3A_1132 = arith.constant 10 : i32
    %eq3A_1133 = vector.broadcast %eq3A_1132 : i32 to vector<16xi32>
    %eq3A_1134 = arith.cmpi eq, %iota3A, %eq3A_1133 : vector<16xi32>
    %jit3A_1135 = arith.constant 0.530973732 : f32
    %broadcast_in_dim3A_1136 = vector.broadcast %jit3A_1135 : f32 to vector<16xf32>
    %select_n3A_1137 = arith.select %eq3A_1134, %broadcast_in_dim3A_1136, %select_n3A_1125 : vector<16xi1>, vector<16xf32>
    %eq3A_1138 = arith.constant 11 : i32
    %eq3A_1139 = vector.broadcast %eq3A_1138 : i32 to vector<16xi32>
    %eq3A_1140 = arith.cmpi eq, %iota3A, %eq3A_1139 : vector<16xi32>
    %jit3A_1141 = arith.constant 73 : i32
    %broadcast_in_dim3A_1142 = vector.broadcast %jit3A_1141 : i32 to vector<16xi32>
    %select_n3A_1143 = arith.select %eq3A_1140, %broadcast_in_dim3A_1142, %select_n3A_1131 : vector<16xi1>, vector<16xi32>
    %eq3A_1144 = arith.constant 11 : i32
    %eq3A_1145 = vector.broadcast %eq3A_1144 : i32 to vector<16xi32>
    %eq3A_1146 = arith.cmpi eq, %iota3A, %eq3A_1145 : vector<16xi32>
    %jit3A_1147 = arith.constant 6.502420e-01 : f32
    %broadcast_in_dim3A_1148 = vector.broadcast %jit3A_1147 : f32 to vector<16xf32>
    %select_n3A_1149 = arith.select %eq3A_1146, %broadcast_in_dim3A_1148, %select_n3A_1137 : vector<16xi1>, vector<16xf32>
    %eq3A_1150 = arith.constant 12 : i32
    %eq3A_1151 = vector.broadcast %eq3A_1150 : i32 to vector<16xi32>
    %eq3A_1152 = arith.cmpi eq, %iota3A, %eq3A_1151 : vector<16xi32>
    %jit3A_1153 = arith.constant 849 : i32
    %broadcast_in_dim3A_1154 = vector.broadcast %jit3A_1153 : i32 to vector<16xi32>
    %select_n3A_1155 = arith.select %eq3A_1152, %broadcast_in_dim3A_1154, %select_n3A_1143 : vector<16xi1>, vector<16xi32>
    %eq3A_1156 = arith.constant 12 : i32
    %eq3A_1157 = vector.broadcast %eq3A_1156 : i32 to vector<16xi32>
    %eq3A_1158 = arith.cmpi eq, %iota3A, %eq3A_1157 : vector<16xi32>
    %jit3A_1159 = arith.constant 0.509334683 : f32
    %broadcast_in_dim3A_1160 = vector.broadcast %jit3A_1159 : f32 to vector<16xf32>
    %select_n3A_1161 = arith.select %eq3A_1158, %broadcast_in_dim3A_1160, %select_n3A_1149 : vector<16xi1>, vector<16xf32>
    %eq3A_1162 = arith.constant 13 : i32
    %eq3A_1163 = vector.broadcast %eq3A_1162 : i32 to vector<16xi32>
    %eq3A_1164 = arith.cmpi eq, %iota3A, %eq3A_1163 : vector<16xi32>
    %jit3A_1165 = arith.constant 351 : i32
    %broadcast_in_dim3A_1166 = vector.broadcast %jit3A_1165 : i32 to vector<16xi32>
    %select_n3A_1167 = arith.select %eq3A_1164, %broadcast_in_dim3A_1166, %select_n3A_1155 : vector<16xi1>, vector<16xi32>
    %eq3A_1168 = arith.constant 13 : i32
    %eq3A_1169 = vector.broadcast %eq3A_1168 : i32 to vector<16xi32>
    %eq3A_1170 = arith.cmpi eq, %iota3A, %eq3A_1169 : vector<16xi32>
    %jit3A_1171 = arith.constant 0.556326389 : f32
    %broadcast_in_dim3A_1172 = vector.broadcast %jit3A_1171 : f32 to vector<16xf32>
    %select_n3A_1173 = arith.select %eq3A_1170, %broadcast_in_dim3A_1172, %select_n3A_1161 : vector<16xi1>, vector<16xf32>
    %eq3A_1174 = arith.constant 14 : i32
    %eq3A_1175 = vector.broadcast %eq3A_1174 : i32 to vector<16xi32>
    %eq3A_1176 = arith.cmpi eq, %iota3A, %eq3A_1175 : vector<16xi32>
    %jit3A_1177 = arith.constant 49 : i32
    %broadcast_in_dim3A_1178 = vector.broadcast %jit3A_1177 : i32 to vector<16xi32>
    %select_n3A_1179 = arith.select %eq3A_1176, %broadcast_in_dim3A_1178, %select_n3A_1167 : vector<16xi1>, vector<16xi32>
    %eq3A_1180 = arith.constant 14 : i32
    %eq3A_1181 = vector.broadcast %eq3A_1180 : i32 to vector<16xi32>
    %eq3A_1182 = arith.cmpi eq, %iota3A, %eq3A_1181 : vector<16xi32>
    %jit3A_1183 = arith.constant 0.676241695 : f32
    %broadcast_in_dim3A_1184 = vector.broadcast %jit3A_1183 : f32 to vector<16xf32>
    %select_n3A_1185 = arith.select %eq3A_1182, %broadcast_in_dim3A_1184, %select_n3A_1173 : vector<16xi1>, vector<16xf32>
    %eq3A_1186 = arith.constant 15 : i32
    %eq3A_1187 = vector.broadcast %eq3A_1186 : i32 to vector<16xi32>
    %eq3A_1188 = arith.cmpi eq, %iota3A, %eq3A_1187 : vector<16xi32>
    %jit3A_1189 = arith.constant 3097 : i32
    %broadcast_in_dim3A_1190 = vector.broadcast %jit3A_1189 : i32 to vector<16xi32>
    %select_n3A_1191 = arith.select %eq3A_1188, %broadcast_in_dim3A_1190, %select_n3A_1179 : vector<16xi1>, vector<16xi32>
    %eq3A_1192 = arith.constant 15 : i32
    %eq3A_1193 = vector.broadcast %eq3A_1192 : i32 to vector<16xi32>
    %eq3A_1194 = arith.cmpi eq, %iota3A, %eq3A_1193 : vector<16xi32>
    %jit3A_1195 = arith.constant 0.447256535 : f32
    %broadcast_in_dim3A_1196 = vector.broadcast %jit3A_1195 : f32 to vector<16xf32>
    %select_n3A_1197 = arith.select %eq3A_1194, %broadcast_in_dim3A_1196, %select_n3A_1185 : vector<16xi1>, vector<16xf32>
    %broadcast_in_dim3A_1198 = arith.constant 0 : i32
    %broadcast_in_dim3A_1199 = vector.broadcast %broadcast_in_dim3A_1198 : i32 to vector<16xi32>
    %broadcast_in_dim3A_1200 = arith.constant 0.000000e+00 : f32
    %broadcast_in_dim3A_1201 = vector.broadcast %broadcast_in_dim3A_1200 : f32 to vector<16xf32>
    %eq3A_1202 = arith.constant 0 : i32
    %eq3A_1203 = vector.broadcast %eq3A_1202 : i32 to vector<16xi32>
    %eq3A_1204 = arith.cmpi eq, %iota3A, %eq3A_1203 : vector<16xi32>
    %jit3A_1205 = arith.constant 2718 : i32
    %broadcast_in_dim3A_1206 = vector.broadcast %jit3A_1205 : i32 to vector<16xi32>
    %select_n3A_1207 = arith.select %eq3A_1204, %broadcast_in_dim3A_1206, %broadcast_in_dim3A_1199 : vector<16xi1>, vector<16xi32>
    %eq3A_1208 = arith.constant 0 : i32
    %eq3A_1209 = vector.broadcast %eq3A_1208 : i32 to vector<16xi32>
    %eq3A_1210 = arith.cmpi eq, %iota3A, %eq3A_1209 : vector<16xi32>
    %jit3A_1211 = arith.constant 0.453189522 : f32
    %broadcast_in_dim3A_1212 = vector.broadcast %jit3A_1211 : f32 to vector<16xf32>
    %select_n3A_1213 = arith.select %eq3A_1210, %broadcast_in_dim3A_1212, %broadcast_in_dim3A_1201 : vector<16xi1>, vector<16xf32>
    %eq3A_1214 = arith.constant 1 : i32
    %eq3A_1215 = vector.broadcast %eq3A_1214 : i32 to vector<16xi32>
    %eq3A_1216 = arith.cmpi eq, %iota3A, %eq3A_1215 : vector<16xi32>
    %jit3A_1217 = arith.constant 36 : i32
    %broadcast_in_dim3A_1218 = vector.broadcast %jit3A_1217 : i32 to vector<16xi32>
    %select_n3A_1219 = arith.select %eq3A_1216, %broadcast_in_dim3A_1218, %select_n3A_1207 : vector<16xi1>, vector<16xi32>
    %eq3A_1220 = arith.constant 1 : i32
    %eq3A_1221 = vector.broadcast %eq3A_1220 : i32 to vector<16xi32>
    %eq3A_1222 = arith.cmpi eq, %iota3A, %eq3A_1221 : vector<16xi32>
    %jit3A_1223 = arith.constant 0.696913897 : f32
    %broadcast_in_dim3A_1224 = vector.broadcast %jit3A_1223 : f32 to vector<16xf32>
    %select_n3A_1225 = arith.select %eq3A_1222, %broadcast_in_dim3A_1224, %select_n3A_1213 : vector<16xi1>, vector<16xf32>
    %eq3A_1226 = arith.constant 2 : i32
    %eq3A_1227 = vector.broadcast %eq3A_1226 : i32 to vector<16xi32>
    %eq3A_1228 = arith.cmpi eq, %iota3A, %eq3A_1227 : vector<16xi32>
    %jit3A_1229 = arith.constant 319 : i32
    %broadcast_in_dim3A_1230 = vector.broadcast %jit3A_1229 : i32 to vector<16xi32>
    %select_n3A_1231 = arith.select %eq3A_1228, %broadcast_in_dim3A_1230, %select_n3A_1219 : vector<16xi1>, vector<16xi32>
    %eq3A_1232 = arith.constant 2 : i32
    %eq3A_1233 = vector.broadcast %eq3A_1232 : i32 to vector<16xi32>
    %eq3A_1234 = arith.cmpi eq, %iota3A, %eq3A_1233 : vector<16xi32>
    %jit3A_1235 = arith.constant 0.561656773 : f32
    %broadcast_in_dim3A_1236 = vector.broadcast %jit3A_1235 : f32 to vector<16xf32>
    %select_n3A_1237 = arith.select %eq3A_1234, %broadcast_in_dim3A_1236, %select_n3A_1225 : vector<16xi1>, vector<16xf32>
    %eq3A_1238 = arith.constant 3 : i32
    %eq3A_1239 = vector.broadcast %eq3A_1238 : i32 to vector<16xi32>
    %eq3A_1240 = arith.cmpi eq, %iota3A, %eq3A_1239 : vector<16xi32>
    %jit3A_1241 = arith.constant 58 : i32
    %broadcast_in_dim3A_1242 = vector.broadcast %jit3A_1241 : i32 to vector<16xi32>
    %select_n3A_1243 = arith.select %eq3A_1240, %broadcast_in_dim3A_1242, %select_n3A_1231 : vector<16xi1>, vector<16xi32>
    %eq3A_1244 = arith.constant 3 : i32
    %eq3A_1245 = vector.broadcast %eq3A_1244 : i32 to vector<16xi32>
    %eq3A_1246 = arith.cmpi eq, %iota3A, %eq3A_1245 : vector<16xi32>
    %jit3A_1247 = arith.constant 0.665140569 : f32
    %broadcast_in_dim3A_1248 = vector.broadcast %jit3A_1247 : f32 to vector<16xf32>
    %select_n3A_1249 = arith.select %eq3A_1246, %broadcast_in_dim3A_1248, %select_n3A_1237 : vector<16xi1>, vector<16xf32>
    %eq3A_1250 = arith.constant 4 : i32
    %eq3A_1251 = vector.broadcast %eq3A_1250 : i32 to vector<16xi32>
    %eq3A_1252 = arith.cmpi eq, %iota3A, %eq3A_1251 : vector<16xi32>
    %jit3A_1253 = arith.constant 42 : i32
    %broadcast_in_dim3A_1254 = vector.broadcast %jit3A_1253 : i32 to vector<16xi32>
    %select_n3A_1255 = arith.select %eq3A_1252, %broadcast_in_dim3A_1254, %select_n3A_1243 : vector<16xi1>, vector<16xi32>
    %eq3A_1256 = arith.constant 4 : i32
    %eq3A_1257 = vector.broadcast %eq3A_1256 : i32 to vector<16xi32>
    %eq3A_1258 = arith.cmpi eq, %iota3A, %eq3A_1257 : vector<16xi32>
    %jit3A_1259 = arith.constant 0.686518609 : f32
    %broadcast_in_dim3A_1260 = vector.broadcast %jit3A_1259 : f32 to vector<16xf32>
    %select_n3A_1261 = arith.select %eq3A_1258, %broadcast_in_dim3A_1260, %select_n3A_1249 : vector<16xi1>, vector<16xf32>
    %eq3A_1262 = arith.constant 5 : i32
    %eq3A_1263 = vector.broadcast %eq3A_1262 : i32 to vector<16xi32>
    %eq3A_1264 = arith.cmpi eq, %iota3A, %eq3A_1263 : vector<16xi32>
    %jit3A_1265 = arith.constant 71 : i32
    %broadcast_in_dim3A_1266 = vector.broadcast %jit3A_1265 : i32 to vector<16xi32>
    %select_n3A_1267 = arith.select %eq3A_1264, %broadcast_in_dim3A_1266, %select_n3A_1255 : vector<16xi1>, vector<16xi32>
    %eq3A_1268 = arith.constant 5 : i32
    %eq3A_1269 = vector.broadcast %eq3A_1268 : i32 to vector<16xi32>
    %eq3A_1270 = arith.cmpi eq, %iota3A, %eq3A_1269 : vector<16xi32>
    %jit3A_1271 = arith.constant 0.652026116 : f32
    %broadcast_in_dim3A_1272 = vector.broadcast %jit3A_1271 : f32 to vector<16xf32>
    %select_n3A_1273 = arith.select %eq3A_1270, %broadcast_in_dim3A_1272, %select_n3A_1261 : vector<16xi1>, vector<16xf32>
    %eq3A_1274 = arith.constant 6 : i32
    %eq3A_1275 = vector.broadcast %eq3A_1274 : i32 to vector<16xi32>
    %eq3A_1276 = arith.cmpi eq, %iota3A, %eq3A_1275 : vector<16xi32>
    %jit3A_1277 = arith.constant 610 : i32
    %broadcast_in_dim3A_1278 = vector.broadcast %jit3A_1277 : i32 to vector<16xi32>
    %select_n3A_1279 = arith.select %eq3A_1276, %broadcast_in_dim3A_1278, %select_n3A_1267 : vector<16xi1>, vector<16xi32>
    %eq3A_1280 = arith.constant 6 : i32
    %eq3A_1281 = vector.broadcast %eq3A_1280 : i32 to vector<16xi32>
    %eq3A_1282 = arith.cmpi eq, %iota3A, %eq3A_1281 : vector<16xi32>
    %jit3A_1283 = arith.constant 0.526455045 : f32
    %broadcast_in_dim3A_1284 = vector.broadcast %jit3A_1283 : f32 to vector<16xf32>
    %select_n3A_1285 = arith.select %eq3A_1282, %broadcast_in_dim3A_1284, %select_n3A_1273 : vector<16xi1>, vector<16xf32>
    %eq3A_1286 = arith.constant 7 : i32
    %eq3A_1287 = vector.broadcast %eq3A_1286 : i32 to vector<16xi32>
    %eq3A_1288 = arith.cmpi eq, %iota3A, %eq3A_1287 : vector<16xi32>
    %jit3A_1289 = arith.constant 10856 : i32
    %broadcast_in_dim3A_1290 = vector.broadcast %jit3A_1289 : i32 to vector<16xi32>
    %select_n3A_1291 = arith.select %eq3A_1288, %broadcast_in_dim3A_1290, %select_n3A_1279 : vector<16xi1>, vector<16xi32>
    %eq3A_1292 = arith.constant 7 : i32
    %eq3A_1293 = vector.broadcast %eq3A_1292 : i32 to vector<16xi32>
    %eq3A_1294 = arith.cmpi eq, %iota3A, %eq3A_1293 : vector<16xi32>
    %jit3A_1295 = arith.constant 0.393091232 : f32
    %broadcast_in_dim3A_1296 = vector.broadcast %jit3A_1295 : f32 to vector<16xf32>
    %select_n3A_1297 = arith.select %eq3A_1294, %broadcast_in_dim3A_1296, %select_n3A_1285 : vector<16xi1>, vector<16xf32>
    %eq3A_1298 = arith.constant 8 : i32
    %eq3A_1299 = vector.broadcast %eq3A_1298 : i32 to vector<16xi32>
    %eq3A_1300 = arith.cmpi eq, %iota3A, %eq3A_1299 : vector<16xi32>
    %jit3A_1301 = arith.constant 1163 : i32
    %broadcast_in_dim3A_1302 = vector.broadcast %jit3A_1301 : i32 to vector<16xi32>
    %select_n3A_1303 = arith.select %eq3A_1300, %broadcast_in_dim3A_1302, %select_n3A_1291 : vector<16xi1>, vector<16xi32>
    %eq3A_1304 = arith.constant 8 : i32
    %eq3A_1305 = vector.broadcast %eq3A_1304 : i32 to vector<16xi32>
    %eq3A_1306 = arith.cmpi eq, %iota3A, %eq3A_1305 : vector<16xi32>
    %jit3A_1307 = arith.constant 0.493536711 : f32
    %broadcast_in_dim3A_1308 = vector.broadcast %jit3A_1307 : f32 to vector<16xf32>
    %select_n3A_1309 = arith.select %eq3A_1306, %broadcast_in_dim3A_1308, %select_n3A_1297 : vector<16xi1>, vector<16xf32>
    %eq3A_1310 = arith.constant 9 : i32
    %eq3A_1311 = vector.broadcast %eq3A_1310 : i32 to vector<16xi32>
    %eq3A_1312 = arith.cmpi eq, %iota3A, %eq3A_1311 : vector<16xi32>
    %jit3A_1313 = arith.constant 246 : i32
    %broadcast_in_dim3A_1314 = vector.broadcast %jit3A_1313 : i32 to vector<16xi32>
    %select_n3A_1315 = arith.select %eq3A_1312, %broadcast_in_dim3A_1314, %select_n3A_1303 : vector<16xi1>, vector<16xi32>
    %eq3A_1316 = arith.constant 9 : i32
    %eq3A_1317 = vector.broadcast %eq3A_1316 : i32 to vector<16xi32>
    %eq3A_1318 = arith.cmpi eq, %iota3A, %eq3A_1317 : vector<16xi32>
    %jit3A_1319 = arith.constant 0.576395392 : f32
    %broadcast_in_dim3A_1320 = vector.broadcast %jit3A_1319 : f32 to vector<16xf32>
    %select_n3A_1321 = arith.select %eq3A_1318, %broadcast_in_dim3A_1320, %select_n3A_1309 : vector<16xi1>, vector<16xf32>
    %eq3A_1322 = arith.constant 10 : i32
    %eq3A_1323 = vector.broadcast %eq3A_1322 : i32 to vector<16xi32>
    %eq3A_1324 = arith.cmpi eq, %iota3A, %eq3A_1323 : vector<16xi32>
    %jit3A_1325 = arith.constant 393 : i32
    %broadcast_in_dim3A_1326 = vector.broadcast %jit3A_1325 : i32 to vector<16xi32>
    %select_n3A_1327 = arith.select %eq3A_1324, %broadcast_in_dim3A_1326, %select_n3A_1315 : vector<16xi1>, vector<16xi32>
    %eq3A_1328 = arith.constant 10 : i32
    %eq3A_1329 = vector.broadcast %eq3A_1328 : i32 to vector<16xi32>
    %eq3A_1330 = arith.cmpi eq, %iota3A, %eq3A_1329 : vector<16xi32>
    %jit3A_1331 = arith.constant 0.550087392 : f32
    %broadcast_in_dim3A_1332 = vector.broadcast %jit3A_1331 : f32 to vector<16xf32>
    %select_n3A_1333 = arith.select %eq3A_1330, %broadcast_in_dim3A_1332, %select_n3A_1321 : vector<16xi1>, vector<16xf32>
    %eq3A_1334 = arith.constant 11 : i32
    %eq3A_1335 = vector.broadcast %eq3A_1334 : i32 to vector<16xi32>
    %eq3A_1336 = arith.cmpi eq, %iota3A, %eq3A_1335 : vector<16xi32>
    %jit3A_1337 = arith.constant 112 : i32
    %broadcast_in_dim3A_1338 = vector.broadcast %jit3A_1337 : i32 to vector<16xi32>
    %select_n3A_1339 = arith.select %eq3A_1336, %broadcast_in_dim3A_1338, %select_n3A_1327 : vector<16xi1>, vector<16xi32>
    %eq3A_1340 = arith.constant 11 : i32
    %eq3A_1341 = vector.broadcast %eq3A_1340 : i32 to vector<16xi32>
    %eq3A_1342 = arith.cmpi eq, %iota3A, %eq3A_1341 : vector<16xi32>
    %jit3A_1343 = arith.constant 0.623288094 : f32
    %broadcast_in_dim3A_1344 = vector.broadcast %jit3A_1343 : f32 to vector<16xf32>
    %select_n3A_1345 = arith.select %eq3A_1342, %broadcast_in_dim3A_1344, %select_n3A_1333 : vector<16xi1>, vector<16xf32>
    %eq3A_1346 = arith.constant 12 : i32
    %eq3A_1347 = vector.broadcast %eq3A_1346 : i32 to vector<16xi32>
    %eq3A_1348 = arith.cmpi eq, %iota3A, %eq3A_1347 : vector<16xi32>
    %jit3A_1349 = arith.constant 140 : i32
    %broadcast_in_dim3A_1350 = vector.broadcast %jit3A_1349 : i32 to vector<16xi32>
    %select_n3A_1351 = arith.select %eq3A_1348, %broadcast_in_dim3A_1350, %select_n3A_1339 : vector<16xi1>, vector<16xi32>
    %eq3A_1352 = arith.constant 12 : i32
    %eq3A_1353 = vector.broadcast %eq3A_1352 : i32 to vector<16xi32>
    %eq3A_1354 = arith.cmpi eq, %iota3A, %eq3A_1353 : vector<16xi32>
    %jit3A_1355 = arith.constant 0.609640121 : f32
    %broadcast_in_dim3A_1356 = vector.broadcast %jit3A_1355 : f32 to vector<16xf32>
    %select_n3A_1357 = arith.select %eq3A_1354, %broadcast_in_dim3A_1356, %select_n3A_1345 : vector<16xi1>, vector<16xf32>
    %eq3A_1358 = arith.constant 13 : i32
    %eq3A_1359 = vector.broadcast %eq3A_1358 : i32 to vector<16xi32>
    %eq3A_1360 = arith.cmpi eq, %iota3A, %eq3A_1359 : vector<16xi32>
    %jit3A_1361 = arith.constant 39 : i32
    %broadcast_in_dim3A_1362 = vector.broadcast %jit3A_1361 : i32 to vector<16xi32>
    %select_n3A_1363 = arith.select %eq3A_1360, %broadcast_in_dim3A_1362, %select_n3A_1351 : vector<16xi1>, vector<16xi32>
    %eq3A_1364 = arith.constant 13 : i32
    %eq3A_1365 = vector.broadcast %eq3A_1364 : i32 to vector<16xi32>
    %eq3A_1366 = arith.cmpi eq, %iota3A, %eq3A_1365 : vector<16xi32>
    %jit3A_1367 = arith.constant 0.691501617 : f32
    %broadcast_in_dim3A_1368 = vector.broadcast %jit3A_1367 : f32 to vector<16xf32>
    %select_n3A_1369 = arith.select %eq3A_1366, %broadcast_in_dim3A_1368, %select_n3A_1357 : vector<16xi1>, vector<16xf32>
    %eq3A_1370 = arith.constant 14 : i32
    %eq3A_1371 = vector.broadcast %eq3A_1370 : i32 to vector<16xi32>
    %eq3A_1372 = arith.cmpi eq, %iota3A, %eq3A_1371 : vector<16xi32>
    %jit3A_1373 = arith.constant 68 : i32
    %broadcast_in_dim3A_1374 = vector.broadcast %jit3A_1373 : i32 to vector<16xi32>
    %select_n3A_1375 = arith.select %eq3A_1372, %broadcast_in_dim3A_1374, %select_n3A_1363 : vector<16xi1>, vector<16xi32>
    %eq3A_1376 = arith.constant 14 : i32
    %eq3A_1377 = vector.broadcast %eq3A_1376 : i32 to vector<16xi32>
    %eq3A_1378 = arith.cmpi eq, %iota3A, %eq3A_1377 : vector<16xi32>
    %jit3A_1379 = arith.constant 0.65480715 : f32
    %broadcast_in_dim3A_1380 = vector.broadcast %jit3A_1379 : f32 to vector<16xf32>
    %select_n3A_1381 = arith.select %eq3A_1378, %broadcast_in_dim3A_1380, %select_n3A_1369 : vector<16xi1>, vector<16xf32>
    %eq3A_1382 = arith.constant 15 : i32
    %eq3A_1383 = vector.broadcast %eq3A_1382 : i32 to vector<16xi32>
    %eq3A_1384 = arith.cmpi eq, %iota3A, %eq3A_1383 : vector<16xi32>
    %jit3A_1385 = arith.constant 100 : i32
    %broadcast_in_dim3A_1386 = vector.broadcast %jit3A_1385 : i32 to vector<16xi32>
    %select_n3A_1387 = arith.select %eq3A_1384, %broadcast_in_dim3A_1386, %select_n3A_1375 : vector<16xi1>, vector<16xi32>
    %eq3A_1388 = arith.constant 15 : i32
    %eq3A_1389 = vector.broadcast %eq3A_1388 : i32 to vector<16xi32>
    %eq3A_1390 = arith.cmpi eq, %iota3A, %eq3A_1389 : vector<16xi32>
    %jit3A_1391 = arith.constant 0.630325734 : f32
    %broadcast_in_dim3A_1392 = vector.broadcast %jit3A_1391 : f32 to vector<16xf32>
    %select_n3A_1393 = arith.select %eq3A_1390, %broadcast_in_dim3A_1392, %select_n3A_1381 : vector<16xi1>, vector<16xf32>
    %broadcast_in_dim3A_1394 = arith.constant 0 : i32
    %broadcast_in_dim3A_1395 = vector.broadcast %broadcast_in_dim3A_1394 : i32 to vector<16xi32>
    %broadcast_in_dim3A_1396 = arith.constant 0.000000e+00 : f32
    %broadcast_in_dim3A_1397 = vector.broadcast %broadcast_in_dim3A_1396 : f32 to vector<16xf32>
    %eq3A_1398 = arith.constant 0 : i32
    %eq3A_1399 = vector.broadcast %eq3A_1398 : i32 to vector<16xi32>
    %eq3A_1400 = arith.cmpi eq, %iota3A, %eq3A_1399 : vector<16xi32>
    %jit3A_1401 = arith.constant 45 : i32
    %broadcast_in_dim3A_1402 = vector.broadcast %jit3A_1401 : i32 to vector<16xi32>
    %select_n3A_1403 = arith.select %eq3A_1400, %broadcast_in_dim3A_1402, %broadcast_in_dim3A_1395 : vector<16xi1>, vector<16xi32>
    %eq3A_1404 = arith.constant 0 : i32
    %eq3A_1405 = vector.broadcast %eq3A_1404 : i32 to vector<16xi32>
    %eq3A_1406 = arith.cmpi eq, %iota3A, %eq3A_1405 : vector<16xi32>
    %jit3A_1407 = arith.constant 0.681904078 : f32
    %broadcast_in_dim3A_1408 = vector.broadcast %jit3A_1407 : f32 to vector<16xf32>
    %select_n3A_1409 = arith.select %eq3A_1406, %broadcast_in_dim3A_1408, %broadcast_in_dim3A_1397 : vector<16xi1>, vector<16xf32>
    %eq3A_1410 = arith.constant 1 : i32
    %eq3A_1411 = vector.broadcast %eq3A_1410 : i32 to vector<16xi32>
    %eq3A_1412 = arith.cmpi eq, %iota3A, %eq3A_1411 : vector<16xi32>
    %jit3A_1413 = arith.constant 544 : i32
    %broadcast_in_dim3A_1414 = vector.broadcast %jit3A_1413 : i32 to vector<16xi32>
    %select_n3A_1415 = arith.select %eq3A_1412, %broadcast_in_dim3A_1414, %select_n3A_1403 : vector<16xi1>, vector<16xi32>
    %eq3A_1416 = arith.constant 1 : i32
    %eq3A_1417 = vector.broadcast %eq3A_1416 : i32 to vector<16xi32>
    %eq3A_1418 = arith.cmpi eq, %iota3A, %eq3A_1417 : vector<16xi32>
    %jit3A_1419 = arith.constant 0.532513797 : f32
    %broadcast_in_dim3A_1420 = vector.broadcast %jit3A_1419 : f32 to vector<16xf32>
    %select_n3A_1421 = arith.select %eq3A_1418, %broadcast_in_dim3A_1420, %select_n3A_1409 : vector<16xi1>, vector<16xf32>
    %eq3A_1422 = arith.constant 2 : i32
    %eq3A_1423 = vector.broadcast %eq3A_1422 : i32 to vector<16xi32>
    %eq3A_1424 = arith.cmpi eq, %iota3A, %eq3A_1423 : vector<16xi32>
    %jit3A_1425 = arith.constant 317 : i32
    %broadcast_in_dim3A_1426 = vector.broadcast %jit3A_1425 : i32 to vector<16xi32>
    %select_n3A_1427 = arith.select %eq3A_1424, %broadcast_in_dim3A_1426, %select_n3A_1415 : vector<16xi1>, vector<16xi32>
    %eq3A_1428 = arith.constant 2 : i32
    %eq3A_1429 = vector.broadcast %eq3A_1428 : i32 to vector<16xi32>
    %eq3A_1430 = arith.cmpi eq, %iota3A, %eq3A_1429 : vector<16xi32>
    %jit3A_1431 = arith.constant 0.562009096 : f32
    %broadcast_in_dim3A_1432 = vector.broadcast %jit3A_1431 : f32 to vector<16xf32>
    %select_n3A_1433 = arith.select %eq3A_1430, %broadcast_in_dim3A_1432, %select_n3A_1421 : vector<16xi1>, vector<16xf32>
    %eq3A_1434 = arith.constant 3 : i32
    %eq3A_1435 = vector.broadcast %eq3A_1434 : i32 to vector<16xi32>
    %eq3A_1436 = arith.cmpi eq, %iota3A, %eq3A_1435 : vector<16xi32>
    %jit3A_1437 = arith.constant 936 : i32
    %broadcast_in_dim3A_1438 = vector.broadcast %jit3A_1437 : i32 to vector<16xi32>
    %select_n3A_1439 = arith.select %eq3A_1436, %broadcast_in_dim3A_1438, %select_n3A_1427 : vector<16xi1>, vector<16xi32>
    %eq3A_1440 = arith.constant 3 : i32
    %eq3A_1441 = vector.broadcast %eq3A_1440 : i32 to vector<16xi32>
    %eq3A_1442 = arith.cmpi eq, %iota3A, %eq3A_1441 : vector<16xi32>
    %jit3A_1443 = arith.constant 0.504386127 : f32
    %broadcast_in_dim3A_1444 = vector.broadcast %jit3A_1443 : f32 to vector<16xf32>
    %select_n3A_1445 = arith.select %eq3A_1442, %broadcast_in_dim3A_1444, %select_n3A_1433 : vector<16xi1>, vector<16xf32>
    %eq3A_1446 = arith.constant 4 : i32
    %eq3A_1447 = vector.broadcast %eq3A_1446 : i32 to vector<16xi32>
    %eq3A_1448 = arith.cmpi eq, %iota3A, %eq3A_1447 : vector<16xi32>
    %jit3A_1449 = arith.constant 2807 : i32
    %broadcast_in_dim3A_1450 = vector.broadcast %jit3A_1449 : i32 to vector<16xi32>
    %select_n3A_1451 = arith.select %eq3A_1448, %broadcast_in_dim3A_1450, %select_n3A_1439 : vector<16xi1>, vector<16xi32>
    %eq3A_1452 = arith.constant 4 : i32
    %eq3A_1453 = vector.broadcast %eq3A_1452 : i32 to vector<16xi32>
    %eq3A_1454 = arith.cmpi eq, %iota3A, %eq3A_1453 : vector<16xi32>
    %jit3A_1455 = arith.constant 0.451718837 : f32
    %broadcast_in_dim3A_1456 = vector.broadcast %jit3A_1455 : f32 to vector<16xf32>
    %select_n3A_1457 = arith.select %eq3A_1454, %broadcast_in_dim3A_1456, %select_n3A_1445 : vector<16xi1>, vector<16xf32>
    %eq3A_1458 = arith.constant 5 : i32
    %eq3A_1459 = vector.broadcast %eq3A_1458 : i32 to vector<16xi32>
    %eq3A_1460 = arith.cmpi eq, %iota3A, %eq3A_1459 : vector<16xi32>
    %jit3A_1461 = arith.constant 5252 : i32
    %broadcast_in_dim3A_1462 = vector.broadcast %jit3A_1461 : i32 to vector<16xi32>
    %select_n3A_1463 = arith.select %eq3A_1460, %broadcast_in_dim3A_1462, %select_n3A_1451 : vector<16xi1>, vector<16xi32>
    %eq3A_1464 = arith.constant 5 : i32
    %eq3A_1465 = vector.broadcast %eq3A_1464 : i32 to vector<16xi32>
    %eq3A_1466 = arith.cmpi eq, %iota3A, %eq3A_1465 : vector<16xi32>
    %jit3A_1467 = arith.constant 0.423894465 : f32
    %broadcast_in_dim3A_1468 = vector.broadcast %jit3A_1467 : f32 to vector<16xf32>
    %select_n3A_1469 = arith.select %eq3A_1466, %broadcast_in_dim3A_1468, %select_n3A_1457 : vector<16xi1>, vector<16xf32>
    %eq3A_1470 = arith.constant 6 : i32
    %eq3A_1471 = vector.broadcast %eq3A_1470 : i32 to vector<16xi32>
    %eq3A_1472 = arith.cmpi eq, %iota3A, %eq3A_1471 : vector<16xi32>
    %jit3A_1473 = arith.constant 155 : i32
    %broadcast_in_dim3A_1474 = vector.broadcast %jit3A_1473 : i32 to vector<16xi32>
    %select_n3A_1475 = arith.select %eq3A_1472, %broadcast_in_dim3A_1474, %select_n3A_1463 : vector<16xi1>, vector<16xi32>
    %eq3A_1476 = arith.constant 6 : i32
    %eq3A_1477 = vector.broadcast %eq3A_1476 : i32 to vector<16xi32>
    %eq3A_1478 = arith.cmpi eq, %iota3A, %eq3A_1477 : vector<16xi32>
    %jit3A_1479 = arith.constant 0.603507102 : f32
    %broadcast_in_dim3A_1480 = vector.broadcast %jit3A_1479 : f32 to vector<16xf32>
    %select_n3A_1481 = arith.select %eq3A_1478, %broadcast_in_dim3A_1480, %select_n3A_1469 : vector<16xi1>, vector<16xf32>
    %eq3A_1482 = arith.constant 7 : i32
    %eq3A_1483 = vector.broadcast %eq3A_1482 : i32 to vector<16xi32>
    %eq3A_1484 = arith.cmpi eq, %iota3A, %eq3A_1483 : vector<16xi32>
    %jit3A_1485 = arith.constant 32185 : i32
    %broadcast_in_dim3A_1486 = vector.broadcast %jit3A_1485 : i32 to vector<16xi32>
    %select_n3A_1487 = arith.select %eq3A_1484, %broadcast_in_dim3A_1486, %select_n3A_1475 : vector<16xi1>, vector<16xi32>
    %eq3A_1488 = arith.constant 7 : i32
    %eq3A_1489 = vector.broadcast %eq3A_1488 : i32 to vector<16xi32>
    %eq3A_1490 = arith.cmpi eq, %iota3A, %eq3A_1489 : vector<16xi32>
    %jit3A_1491 = arith.constant 0.347088814 : f32
    %broadcast_in_dim3A_1492 = vector.broadcast %jit3A_1491 : f32 to vector<16xf32>
    %select_n3A_1493 = arith.select %eq3A_1490, %broadcast_in_dim3A_1492, %select_n3A_1481 : vector<16xi1>, vector<16xf32>
    %eq3A_1494 = arith.constant 8 : i32
    %eq3A_1495 = vector.broadcast %eq3A_1494 : i32 to vector<16xi32>
    %eq3A_1496 = arith.cmpi eq, %iota3A, %eq3A_1495 : vector<16xi32>
    %jit3A_1497 = arith.constant 48 : i32
    %broadcast_in_dim3A_1498 = vector.broadcast %jit3A_1497 : i32 to vector<16xi32>
    %select_n3A_1499 = arith.select %eq3A_1496, %broadcast_in_dim3A_1498, %select_n3A_1487 : vector<16xi1>, vector<16xi32>
    %eq3A_1500 = arith.constant 8 : i32
    %eq3A_1501 = vector.broadcast %eq3A_1500 : i32 to vector<16xi32>
    %eq3A_1502 = arith.cmpi eq, %iota3A, %eq3A_1501 : vector<16xi32>
    %jit3A_1503 = arith.constant 0.677609384 : f32
    %broadcast_in_dim3A_1504 = vector.broadcast %jit3A_1503 : f32 to vector<16xf32>
    %select_n3A_1505 = arith.select %eq3A_1502, %broadcast_in_dim3A_1504, %select_n3A_1493 : vector<16xi1>, vector<16xf32>
    %eq3A_1506 = arith.constant 9 : i32
    %eq3A_1507 = vector.broadcast %eq3A_1506 : i32 to vector<16xi32>
    %eq3A_1508 = arith.cmpi eq, %iota3A, %eq3A_1507 : vector<16xi32>
    %jit3A_1509 = arith.constant 197 : i32
    %broadcast_in_dim3A_1510 = vector.broadcast %jit3A_1509 : i32 to vector<16xi32>
    %select_n3A_1511 = arith.select %eq3A_1508, %broadcast_in_dim3A_1510, %select_n3A_1499 : vector<16xi1>, vector<16xi32>
    %eq3A_1512 = arith.constant 9 : i32
    %eq3A_1513 = vector.broadcast %eq3A_1512 : i32 to vector<16xi32>
    %eq3A_1514 = arith.cmpi eq, %iota3A, %eq3A_1513 : vector<16xi32>
    %jit3A_1515 = arith.constant 0.589286268 : f32
    %broadcast_in_dim3A_1516 = vector.broadcast %jit3A_1515 : f32 to vector<16xf32>
    %select_n3A_1517 = arith.select %eq3A_1514, %broadcast_in_dim3A_1516, %select_n3A_1505 : vector<16xi1>, vector<16xf32>
    %eq3A_1518 = arith.constant 10 : i32
    %eq3A_1519 = vector.broadcast %eq3A_1518 : i32 to vector<16xi32>
    %eq3A_1520 = arith.cmpi eq, %iota3A, %eq3A_1519 : vector<16xi32>
    %jit3A_1521 = arith.constant 131 : i32
    %broadcast_in_dim3A_1522 = vector.broadcast %jit3A_1521 : i32 to vector<16xi32>
    %select_n3A_1523 = arith.select %eq3A_1520, %broadcast_in_dim3A_1522, %select_n3A_1511 : vector<16xi1>, vector<16xi32>
    %eq3A_1524 = arith.constant 10 : i32
    %eq3A_1525 = vector.broadcast %eq3A_1524 : i32 to vector<16xi32>
    %eq3A_1526 = arith.cmpi eq, %iota3A, %eq3A_1525 : vector<16xi32>
    %jit3A_1527 = arith.constant 0.613675117 : f32
    %broadcast_in_dim3A_1528 = vector.broadcast %jit3A_1527 : f32 to vector<16xf32>
    %select_n3A_1529 = arith.select %eq3A_1526, %broadcast_in_dim3A_1528, %select_n3A_1517 : vector<16xi1>, vector<16xf32>
    %eq3A_1530 = arith.constant 11 : i32
    %eq3A_1531 = vector.broadcast %eq3A_1530 : i32 to vector<16xi32>
    %eq3A_1532 = arith.cmpi eq, %iota3A, %eq3A_1531 : vector<16xi32>
    %jit3A_1533 = arith.constant 126 : i32
    %broadcast_in_dim3A_1534 = vector.broadcast %jit3A_1533 : i32 to vector<16xi32>
    %select_n3A_1535 = arith.select %eq3A_1532, %broadcast_in_dim3A_1534, %select_n3A_1523 : vector<16xi1>, vector<16xi32>
    %eq3A_1536 = arith.constant 11 : i32
    %eq3A_1537 = vector.broadcast %eq3A_1536 : i32 to vector<16xi32>
    %eq3A_1538 = arith.cmpi eq, %iota3A, %eq3A_1537 : vector<16xi32>
    %jit3A_1539 = arith.constant 0.616049647 : f32
    %broadcast_in_dim3A_1540 = vector.broadcast %jit3A_1539 : f32 to vector<16xf32>
    %select_n3A_1541 = arith.select %eq3A_1538, %broadcast_in_dim3A_1540, %select_n3A_1529 : vector<16xi1>, vector<16xf32>
    %eq3A_1542 = arith.constant 12 : i32
    %eq3A_1543 = vector.broadcast %eq3A_1542 : i32 to vector<16xi32>
    %eq3A_1544 = arith.cmpi eq, %iota3A, %eq3A_1543 : vector<16xi32>
    %jit3A_1545 = arith.constant 3797 : i32
    %broadcast_in_dim3A_1546 = vector.broadcast %jit3A_1545 : i32 to vector<16xi32>
    %select_n3A_1547 = arith.select %eq3A_1544, %broadcast_in_dim3A_1546, %select_n3A_1535 : vector<16xi1>, vector<16xi32>
    %eq3A_1548 = arith.constant 12 : i32
    %eq3A_1549 = vector.broadcast %eq3A_1548 : i32 to vector<16xi32>
    %eq3A_1550 = arith.cmpi eq, %iota3A, %eq3A_1549 : vector<16xi32>
    %jit3A_1551 = arith.constant 0.438125819 : f32
    %broadcast_in_dim3A_1552 = vector.broadcast %jit3A_1551 : f32 to vector<16xf32>
    %select_n3A_1553 = arith.select %eq3A_1550, %broadcast_in_dim3A_1552, %select_n3A_1541 : vector<16xi1>, vector<16xf32>
    %eq3A_1554 = arith.constant 13 : i32
    %eq3A_1555 = vector.broadcast %eq3A_1554 : i32 to vector<16xi32>
    %eq3A_1556 = arith.cmpi eq, %iota3A, %eq3A_1555 : vector<16xi32>
    %jit3A_1557 = arith.constant 1516 : i32
    %broadcast_in_dim3A_1558 = vector.broadcast %jit3A_1557 : i32 to vector<16xi32>
    %select_n3A_1559 = arith.select %eq3A_1556, %broadcast_in_dim3A_1558, %select_n3A_1547 : vector<16xi1>, vector<16xi32>
    %eq3A_1560 = arith.constant 13 : i32
    %eq3A_1561 = vector.broadcast %eq3A_1560 : i32 to vector<16xi32>
    %eq3A_1562 = arith.cmpi eq, %iota3A, %eq3A_1561 : vector<16xi32>
    %jit3A_1563 = arith.constant 0.480593652 : f32
    %broadcast_in_dim3A_1564 = vector.broadcast %jit3A_1563 : f32 to vector<16xf32>
    %select_n3A_1565 = arith.select %eq3A_1562, %broadcast_in_dim3A_1564, %select_n3A_1553 : vector<16xi1>, vector<16xf32>
    %eq3A_1566 = arith.constant 14 : i32
    %eq3A_1567 = vector.broadcast %eq3A_1566 : i32 to vector<16xi32>
    %eq3A_1568 = arith.cmpi eq, %iota3A, %eq3A_1567 : vector<16xi32>
    %jit3A_1569 = arith.constant 478 : i32
    %broadcast_in_dim3A_1570 = vector.broadcast %jit3A_1569 : i32 to vector<16xi32>
    %select_n3A_1571 = arith.select %eq3A_1568, %broadcast_in_dim3A_1570, %select_n3A_1559 : vector<16xi1>, vector<16xi32>
    %eq3A_1572 = arith.constant 14 : i32
    %eq3A_1573 = vector.broadcast %eq3A_1572 : i32 to vector<16xi32>
    %eq3A_1574 = arith.cmpi eq, %iota3A, %eq3A_1573 : vector<16xi32>
    %jit3A_1575 = arith.constant 0.539438367 : f32
    %broadcast_in_dim3A_1576 = vector.broadcast %jit3A_1575 : f32 to vector<16xf32>
    %select_n3A_1577 = arith.select %eq3A_1574, %broadcast_in_dim3A_1576, %select_n3A_1565 : vector<16xi1>, vector<16xf32>
    %eq3A_1578 = arith.constant 15 : i32
    %eq3A_1579 = vector.broadcast %eq3A_1578 : i32 to vector<16xi32>
    %eq3A_1580 = arith.cmpi eq, %iota3A, %eq3A_1579 : vector<16xi32>
    %jit3A_1581 = arith.constant 1040 : i32
    %broadcast_in_dim3A_1582 = vector.broadcast %jit3A_1581 : i32 to vector<16xi32>
    %select_n3A_1583 = arith.select %eq3A_1580, %broadcast_in_dim3A_1582, %select_n3A_1571 : vector<16xi1>, vector<16xi32>
    %eq3A_1584 = arith.constant 15 : i32
    %eq3A_1585 = vector.broadcast %eq3A_1584 : i32 to vector<16xi32>
    %eq3A_1586 = arith.cmpi eq, %iota3A, %eq3A_1585 : vector<16xi32>
    %jit3A_1587 = arith.constant 0.499093652 : f32
    %broadcast_in_dim3A_1588 = vector.broadcast %jit3A_1587 : f32 to vector<16xf32>
    %select_n3A_1589 = arith.select %eq3A_1586, %broadcast_in_dim3A_1588, %select_n3A_1577 : vector<16xi1>, vector<16xf32>
    %dma_wait3A = arith.constant 0 : i32
    %dma_wait3A_1590 = tpu.memref_slice %arg4[%dma_wait3A] : memref<65536xf32, #tpu.memory_space<vmem>> -> memref<32768xf32, #tpu.memory_space<vmem>>
    %dma_wait3A_1591 = arith.constant 0 : i32
    %dma_wait3A_1592 = tpu.memref_slice %arg2[%add3A_4, %dma_wait3A_1591] : memref<64x32768xf32, #tpu.memory_space<hbm>> -> memref<1x32768xf32, #tpu.memory_space<hbm>>
    %dma_wait3A_1593 = tpu.memref_squeeze %dma_wait3A_1592 : memref<1x32768xf32, #tpu.memory_space<hbm>> -> memref<32768xf32, #tpu.memory_space<hbm>>
    %dma_wait3A_1594 = arith.constant 0 : i32
    %dma_wait3A_1595 = tpu.memref_slice %arg4[%dma_wait3A_1594] : memref<65536xf32, #tpu.memory_space<vmem>> -> memref<32768xf32, #tpu.memory_space<vmem>>
    %dma_wait3A_1596 = arith.constant 0 : i32
    %dma_wait3A_1597 = tpu.memref_slice %arg2[%add3A_4, %dma_wait3A_1596] : memref<64x32768xf32, #tpu.memory_space<hbm>> -> memref<1x32768xf32, #tpu.memory_space<hbm>>
    %dma_wait3A_1598 = tpu.memref_squeeze %dma_wait3A_1597 : memref<1x32768xf32, #tpu.memory_space<hbm>> -> memref<32768xf32, #tpu.memory_space<hbm>>
    tpu.wait_dma2 semaphore(%arg6 : memref<!tpu.dma_semaphore, #tpu.memory_space<semaphore_mem>>) src(%dma_wait3A_1598 : memref<32768xf32, #tpu.memory_space<hbm>>) dst(%dma_wait3A_1595 : memref<32768xf32, #tpu.memory_space<vmem>>)
    %broadcast_in_dim3A_1599 = arith.constant 0.000000e+00 : f32
    %broadcast_in_dim3A_1600 = vector.broadcast %broadcast_in_dim3A_1599 : f32 to vector<16xf32>
    %add3A_1601 = arith.constant 0 : i32
    %add3A_1602 = vector.broadcast %add3A_1601 : i32 to vector<16xi32>
    %add3A_1603 = arith.addi %select_n3A_211, %add3A_1602 : vector<16xi32>
    %gather3A = tpu.vector_load_idx %arg4[%add3A_1603] : memref<65536xf32, #tpu.memory_space<vmem>>[vector<16xi32>], vector<16xf32>,
    %mul3A_1604 = arith.mulf %select_n3A_217, %gather3A : vector<16xf32>
    %add3A_1605 = arith.addf %broadcast_in_dim3A_1600, %mul3A_1604 : vector<16xf32>
    %add3A_1606 = arith.constant 0 : i32
    %add3A_1607 = vector.broadcast %add3A_1606 : i32 to vector<16xi32>
    %add3A_1608 = arith.addi %select_n3A_407, %add3A_1607 : vector<16xi32>
    %gather3A_1609 = tpu.vector_load_idx %arg4[%add3A_1608] : memref<65536xf32, #tpu.memory_space<vmem>>[vector<16xi32>], vector<16xf32>,
    %mul3A_1610 = arith.mulf %select_n3A_413, %gather3A_1609 : vector<16xf32>
    %add3A_1611 = arith.addf %add3A_1605, %mul3A_1610 : vector<16xf32>
    %add3A_1612 = arith.constant 0 : i32
    %add3A_1613 = vector.broadcast %add3A_1612 : i32 to vector<16xi32>
    %add3A_1614 = arith.addi %select_n3A_603, %add3A_1613 : vector<16xi32>
    %gather3A_1615 = tpu.vector_load_idx %arg4[%add3A_1614] : memref<65536xf32, #tpu.memory_space<vmem>>[vector<16xi32>], vector<16xf32>,
    %mul3A_1616 = arith.mulf %select_n3A_609, %gather3A_1615 : vector<16xf32>
    %add3A_1617 = arith.addf %add3A_1611, %mul3A_1616 : vector<16xf32>
    %add3A_1618 = arith.constant 0 : i32
    %add3A_1619 = vector.broadcast %add3A_1618 : i32 to vector<16xi32>
    %add3A_1620 = arith.addi %select_n3A_799, %add3A_1619 : vector<16xi32>
    %gather3A_1621 = tpu.vector_load_idx %arg4[%add3A_1620] : memref<65536xf32, #tpu.memory_space<vmem>>[vector<16xi32>], vector<16xf32>,
    %mul3A_1622 = arith.mulf %select_n3A_805, %gather3A_1621 : vector<16xf32>
    %add3A_1623 = arith.addf %add3A_1617, %mul3A_1622 : vector<16xf32>
    %add3A_1624 = arith.constant 0 : i32
    %add3A_1625 = vector.broadcast %add3A_1624 : i32 to vector<16xi32>
    %add3A_1626 = arith.addi %select_n3A_995, %add3A_1625 : vector<16xi32>
    %gather3A_1627 = tpu.vector_load_idx %arg4[%add3A_1626] : memref<65536xf32, #tpu.memory_space<vmem>>[vector<16xi32>], vector<16xf32>,
    %mul3A_1628 = arith.mulf %select_n3A_1001, %gather3A_1627 : vector<16xf32>
    %add3A_1629 = arith.addf %add3A_1623, %mul3A_1628 : vector<16xf32>
    %add3A_1630 = arith.constant 0 : i32
    %add3A_1631 = vector.broadcast %add3A_1630 : i32 to vector<16xi32>
    %add3A_1632 = arith.addi %select_n3A_1191, %add3A_1631 : vector<16xi32>
    %gather3A_1633 = tpu.vector_load_idx %arg4[%add3A_1632] : memref<65536xf32, #tpu.memory_space<vmem>>[vector<16xi32>], vector<16xf32>,
    %mul3A_1634 = arith.mulf %select_n3A_1197, %gather3A_1633 : vector<16xf32>
    %add3A_1635 = arith.addf %add3A_1629, %mul3A_1634 : vector<16xf32>
    %add3A_1636 = arith.constant 0 : i32
    %add3A_1637 = vector.broadcast %add3A_1636 : i32 to vector<16xi32>
    %add3A_1638 = arith.addi %select_n3A_1387, %add3A_1637 : vector<16xi32>
    %gather3A_1639 = tpu.vector_load_idx %arg4[%add3A_1638] : memref<65536xf32, #tpu.memory_space<vmem>>[vector<16xi32>], vector<16xf32>,
    %mul3A_1640 = arith.mulf %select_n3A_1393, %gather3A_1639 : vector<16xf32>
    %add3A_1641 = arith.addf %add3A_1635, %mul3A_1640 : vector<16xf32>
    %add3A_1642 = arith.constant 0 : i32
    %add3A_1643 = vector.broadcast %add3A_1642 : i32 to vector<16xi32>
    %add3A_1644 = arith.addi %select_n3A_1583, %add3A_1643 : vector<16xi32>
    %gather3A_1645 = tpu.vector_load_idx %arg4[%add3A_1644] : memref<65536xf32, #tpu.memory_space<vmem>>[vector<16xi32>], vector<16xf32>,
    %mul3A_1646 = arith.mulf %select_n3A_1589, %gather3A_1645 : vector<16xf32>
    %add3A_1647 = arith.addf %add3A_1641, %mul3A_1646 : vector<16xf32>
    %reduce_sum3A = arith.constant true
    %reduce_sum3A_1648 = vector.broadcast %reduce_sum3A : i1 to vector<16xi1>
    %reduce_sum3A_1649 = tpu.scan <sum>, %add3A_1647 masked %reduce_sum3A_1648 : vector<16xf32>, vector<16xi1> -> vector<16xf32>
    %reduce_sum3A_1650 = vector.extract %reduce_sum3A_1649[15] : f32 from vector<16xf32>
    %get3A = arith.constant 32752 : index
    %get3A_1651 = tpu.vector_load %arg4[%get3A] {strides = array<i32>} : memref<65536xf32, #tpu.memory_space<vmem>>, vector<16xf32>,
    %slice3A = vector.extract_strided_slice %get3A_1651 {offsets = [15], sizes = [1], strides = [1]} : vector<16xf32> to vector<1xf32>
    %squeeze3A = vector.extract %slice3A[0] : f32 from vector<1xf32>
    %mul3A_1652 = arith.constant 79.6782073 : f32
    %mul3A_1653 = arith.mulf %squeeze3A, %mul3A_1652 : f32
    %sub3A = arith.subf %mul3A_1653, %reduce_sum3A_1650 : f32
    %mul3A_1654 = arith.constant 7.812500e-03 : f32
    %mul3A_1655 = arith.mulf %sub3A, %mul3A_1654 : f32
    %eq3A_1656 = arith.constant 15 : i32
    %eq3A_1657 = vector.broadcast %eq3A_1656 : i32 to vector<16xi32>
    %eq3A_1658 = arith.cmpi eq, %iota3A, %eq3A_1657 : vector<16xi32>
    %jit3A_1659 = arith.constant 0.000000e+00 : f32
    %broadcast_in_dim3A_1660 = vector.broadcast %mul3A_1655 : f32 to vector<16xf32>
    %broadcast_in_dim3A_1661 = vector.broadcast %jit3A_1659 : f32 to vector<16xf32>
    %select_n3A_1662 = arith.select %eq3A_1658, %broadcast_in_dim3A_1660, %broadcast_in_dim3A_1661 : vector<16xi1>, vector<16xf32>
    %swap3A = arith.constant 0 : index
    %swap3A_1663 = tpu.vector_load %arg5[%swap3A] {strides = array<i32>} : memref<16xf32, #tpu.memory_space<vmem>>, vector<16xf32>,
    tpu.vector_store %arg5[%swap3A], %select_n3A_1662 {strides = array<i32>} : memref<16xf32, #tpu.memory_space<vmem>>, vector<16xf32>,
    %add3A_1664 = arith.constant 0 : i32
    %add3A_1665 = arith.addi %mul3A_2, %add3A_1664 : i32
    "tpu.region"() ({
      %run_scoped3A = tpu.sem_alloc : memref<!tpu.dma_semaphore, #tpu.memory_space<semaphore_mem>>
      %dma_start3A_1750 = arith.constant 0 : i32
      %dma_start3A_1751 = tpu.memref_slice %arg3[%add3A_1665, %dma_start3A_1750] : memref<64x16xf32, #tpu.memory_space<hbm>> -> memref<1x16xf32, #tpu.memory_space<hbm>>
      %dma_start3A_1752 = tpu.memref_squeeze %dma_start3A_1751 : memref<1x16xf32, #tpu.memory_space<hbm>> -> memref<16xf32, #tpu.memory_space<hbm>>
      %dma_start3A_1753 = arith.constant 0 : i32
      %dma_start3A_1754 = tpu.memref_slice %arg3[%add3A_1665, %dma_start3A_1753] : memref<64x16xf32, #tpu.memory_space<hbm>> -> memref<1x16xf32, #tpu.memory_space<hbm>>
      %dma_start3A_1755 = tpu.memref_squeeze %dma_start3A_1754 : memref<1x16xf32, #tpu.memory_space<hbm>> -> memref<16xf32, #tpu.memory_space<hbm>>
      tpu.enqueue_dma source(%arg5 : memref<16xf32, #tpu.memory_space<vmem>>) target(%dma_start3A_1755 : memref<16xf32, #tpu.memory_space<hbm>>) target_semaphore(%run_scoped3A : memref<!tpu.dma_semaphore, #tpu.memory_space<semaphore_mem>>)
      %dma_wait3A_1756 = arith.constant 0 : i32
      %dma_wait3A_1757 = tpu.memref_slice %arg3[%add3A_1665, %dma_wait3A_1756] : memref<64x16xf32, #tpu.memory_space<hbm>> -> memref<1x16xf32, #tpu.memory_space<hbm>>
      %dma_wait3A_1758 = tpu.memref_squeeze %dma_wait3A_1757 : memref<1x16xf32, #tpu.memory_space<hbm>> -> memref<16xf32, #tpu.memory_space<hbm>>
      %dma_wait3A_1759 = arith.constant 0 : i32
      %dma_wait3A_1760 = tpu.memref_slice %arg3[%add3A_1665, %dma_wait3A_1759] : memref<64x16xf32, #tpu.memory_space<hbm>> -> memref<1x16xf32, #tpu.memory_space<hbm>>
      %dma_wait3A_1761 = tpu.memref_squeeze %dma_wait3A_1760 : memref<1x16xf32, #tpu.memory_space<hbm>> -> memref<16xf32, #tpu.memory_space<hbm>>
      tpu.wait_dma2 semaphore(%run_scoped3A : memref<!tpu.dma_semaphore, #tpu.memory_space<semaphore_mem>>) src(%arg5 : memref<16xf32, #tpu.memory_space<vmem>>) dst(%dma_wait3A_1761 : memref<16xf32, #tpu.memory_space<hbm>>)
      tpu.yield
    }) : () -> ()
    %dma_wait3A_1666 = arith.constant 32768 : i32
    %dma_wait3A_1667 = tpu.memref_slice %arg4[%dma_wait3A_1666] : memref<65536xf32, #tpu.memory_space<vmem>> -> memref<32768xf32, #tpu.memory_space<vmem>>
    %dma_wait3A_1668 = arith.constant 0 : i32
    %dma_wait3A_1669 = tpu.memref_slice %arg2[%add3A_15, %dma_wait3A_1668] : memref<64x32768xf32, #tpu.memory_space<hbm>> -> memref<1x32768xf32, #tpu.memory_space<hbm>>
    %dma_wait3A_1670 = tpu.memref_squeeze %dma_wait3A_1669 : memref<1x32768xf32, #tpu.memory_space<hbm>> -> memref<32768xf32, #tpu.memory_space<hbm>>
    %dma_wait3A_1671 = arith.constant 32768 : i32
    %dma_wait3A_1672 = tpu.memref_slice %arg4[%dma_wait3A_1671] : memref<65536xf32, #tpu.memory_space<vmem>> -> memref<32768xf32, #tpu.memory_space<vmem>>
    %dma_wait3A_1673 = arith.constant 0 : i32
    %dma_wait3A_1674 = tpu.memref_slice %arg2[%add3A_15, %dma_wait3A_1673] : memref<64x32768xf32, #tpu.memory_space<hbm>> -> memref<1x32768xf32, #tpu.memory_space<hbm>>
    %dma_wait3A_1675 = tpu.memref_squeeze %dma_wait3A_1674 : memref<1x32768xf32, #tpu.memory_space<hbm>> -> memref<32768xf32, #tpu.memory_space<hbm>>
    tpu.wait_dma2 semaphore(%arg6 : memref<!tpu.dma_semaphore, #tpu.memory_space<semaphore_mem>>) src(%dma_wait3A_1675 : memref<32768xf32, #tpu.memory_space<hbm>>) dst(%dma_wait3A_1672 : memref<32768xf32, #tpu.memory_space<vmem>>)
    %broadcast_in_dim3A_1676 = arith.constant 0.000000e+00 : f32
    %broadcast_in_dim3A_1677 = vector.broadcast %broadcast_in_dim3A_1676 : f32 to vector<16xf32>
    %add3A_1678 = arith.constant 32768 : i32
    %add3A_1679 = vector.broadcast %add3A_1678 : i32 to vector<16xi32>
    %add3A_1680 = arith.addi %select_n3A_211, %add3A_1679 : vector<16xi32>
    %gather3A_1681 = tpu.vector_load_idx %arg4[%add3A_1680] : memref<65536xf32, #tpu.memory_space<vmem>>[vector<16xi32>], vector<16xf32>,
    %mul3A_1682 = arith.mulf %select_n3A_217, %gather3A_1681 : vector<16xf32>
    %add3A_1683 = arith.addf %broadcast_in_dim3A_1677, %mul3A_1682 : vector<16xf32>
    %add3A_1684 = arith.constant 32768 : i32
    %add3A_1685 = vector.broadcast %add3A_1684 : i32 to vector<16xi32>
    %add3A_1686 = arith.addi %select_n3A_407, %add3A_1685 : vector<16xi32>
    %gather3A_1687 = tpu.vector_load_idx %arg4[%add3A_1686] : memref<65536xf32, #tpu.memory_space<vmem>>[vector<16xi32>], vector<16xf32>,
    %mul3A_1688 = arith.mulf %select_n3A_413, %gather3A_1687 : vector<16xf32>
    %add3A_1689 = arith.addf %add3A_1683, %mul3A_1688 : vector<16xf32>
    %add3A_1690 = arith.constant 32768 : i32
    %add3A_1691 = vector.broadcast %add3A_1690 : i32 to vector<16xi32>
    %add3A_1692 = arith.addi %select_n3A_603, %add3A_1691 : vector<16xi32>
    %gather3A_1693 = tpu.vector_load_idx %arg4[%add3A_1692] : memref<65536xf32, #tpu.memory_space<vmem>>[vector<16xi32>], vector<16xf32>,
    %mul3A_1694 = arith.mulf %select_n3A_609, %gather3A_1693 : vector<16xf32>
    %add3A_1695 = arith.addf %add3A_1689, %mul3A_1694 : vector<16xf32>
    %add3A_1696 = arith.constant 32768 : i32
    %add3A_1697 = vector.broadcast %add3A_1696 : i32 to vector<16xi32>
    %add3A_1698 = arith.addi %select_n3A_799, %add3A_1697 : vector<16xi32>
    %gather3A_1699 = tpu.vector_load_idx %arg4[%add3A_1698] : memref<65536xf32, #tpu.memory_space<vmem>>[vector<16xi32>], vector<16xf32>,
    %mul3A_1700 = arith.mulf %select_n3A_805, %gather3A_1699 : vector<16xf32>
    %add3A_1701 = arith.addf %add3A_1695, %mul3A_1700 : vector<16xf32>
    %add3A_1702 = arith.constant 32768 : i32
    %add3A_1703 = vector.broadcast %add3A_1702 : i32 to vector<16xi32>
    %add3A_1704 = arith.addi %select_n3A_995, %add3A_1703 : vector<16xi32>
    %gather3A_1705 = tpu.vector_load_idx %arg4[%add3A_1704] : memref<65536xf32, #tpu.memory_space<vmem>>[vector<16xi32>], vector<16xf32>,
    %mul3A_1706 = arith.mulf %select_n3A_1001, %gather3A_1705 : vector<16xf32>
    %add3A_1707 = arith.addf %add3A_1701, %mul3A_1706 : vector<16xf32>
    %add3A_1708 = arith.constant 32768 : i32
    %add3A_1709 = vector.broadcast %add3A_1708 : i32 to vector<16xi32>
    %add3A_1710 = arith.addi %select_n3A_1191, %add3A_1709 : vector<16xi32>
    %gather3A_1711 = tpu.vector_load_idx %arg4[%add3A_1710] : memref<65536xf32, #tpu.memory_space<vmem>>[vector<16xi32>], vector<16xf32>,
    %mul3A_1712 = arith.mulf %select_n3A_1197, %gather3A_1711 : vector<16xf32>
    %add3A_1713 = arith.addf %add3A_1707, %mul3A_1712 : vector<16xf32>
    %add3A_1714 = arith.constant 32768 : i32
    %add3A_1715 = vector.broadcast %add3A_1714 : i32 to vector<16xi32>
    %add3A_1716 = arith.addi %select_n3A_1387, %add3A_1715 : vector<16xi32>
    %gather3A_1717 = tpu.vector_load_idx %arg4[%add3A_1716] : memref<65536xf32, #tpu.memory_space<vmem>>[vector<16xi32>], vector<16xf32>,
    %mul3A_1718 = arith.mulf %select_n3A_1393, %gather3A_1717 : vector<16xf32>
    %add3A_1719 = arith.addf %add3A_1713, %mul3A_1718 : vector<16xf32>
    %add3A_1720 = arith.constant 32768 : i32
    %add3A_1721 = vector.broadcast %add3A_1720 : i32 to vector<16xi32>
    %add3A_1722 = arith.addi %select_n3A_1583, %add3A_1721 : vector<16xi32>
    %gather3A_1723 = tpu.vector_load_idx %arg4[%add3A_1722] : memref<65536xf32, #tpu.memory_space<vmem>>[vector<16xi32>], vector<16xf32>,
    %mul3A_1724 = arith.mulf %select_n3A_1589, %gather3A_1723 : vector<16xf32>
    %add3A_1725 = arith.addf %add3A_1719, %mul3A_1724 : vector<16xf32>
    %reduce_sum3A_1726 = arith.constant true
    %reduce_sum3A_1727 = vector.broadcast %reduce_sum3A_1726 : i1 to vector<16xi1>
    %reduce_sum3A_1728 = tpu.scan <sum>, %add3A_1725 masked %reduce_sum3A_1727 : vector<16xf32>, vector<16xi1> -> vector<16xf32>
    %reduce_sum3A_1729 = vector.extract %reduce_sum3A_1728[15] : f32 from vector<16xf32>
    %get3A_1730 = arith.constant 65520 : index
    %get3A_1731 = tpu.vector_load %arg4[%get3A_1730] {strides = array<i32>} : memref<65536xf32, #tpu.memory_space<vmem>>, vector<16xf32>,
    %slice3A_1732 = vector.extract_strided_slice %get3A_1731 {offsets = [15], sizes = [1], strides = [1]} : vector<16xf32> to vector<1xf32>
    %squeeze3A_1733 = vector.extract %slice3A_1732[0] : f32 from vector<1xf32>
    %mul3A_1734 = arith.constant 79.6782073 : f32
    %mul3A_1735 = arith.mulf %squeeze3A_1733, %mul3A_1734 : f32
    %sub3A_1736 = arith.subf %mul3A_1735, %reduce_sum3A_1729 : f32
    %mul3A_1737 = arith.constant 7.812500e-03 : f32
    %mul3A_1738 = arith.mulf %sub3A_1736, %mul3A_1737 : f32
    %eq3A_1739 = arith.constant 15 : i32
    %eq3A_1740 = vector.broadcast %eq3A_1739 : i32 to vector<16xi32>
    %eq3A_1741 = arith.cmpi eq, %iota3A, %eq3A_1740 : vector<16xi32>
    %jit3A_1742 = arith.constant 0.000000e+00 : f32
    %broadcast_in_dim3A_1743 = vector.broadcast %mul3A_1738 : f32 to vector<16xf32>
    %broadcast_in_dim3A_1744 = vector.broadcast %jit3A_1742 : f32 to vector<16xf32>
    %select_n3A_1745 = arith.select %eq3A_1741, %broadcast_in_dim3A_1743, %broadcast_in_dim3A_1744 : vector<16xi1>, vector<16xf32>
    %swap3A_1746 = arith.constant 0 : index
    %swap3A_1747 = tpu.vector_load %arg5[%swap3A_1746] {strides = array<i32>} : memref<16xf32, #tpu.memory_space<vmem>>, vector<16xf32>,
    tpu.vector_store %arg5[%swap3A_1746], %select_n3A_1745 {strides = array<i32>} : memref<16xf32, #tpu.memory_space<vmem>>, vector<16xf32>,
    %add3A_1748 = arith.constant 1 : i32
    %add3A_1749 = arith.addi %mul3A_2, %add3A_1748 : i32
    "tpu.region"() ({
      %run_scoped3A = tpu.sem_alloc : memref<!tpu.dma_semaphore, #tpu.memory_space<semaphore_mem>>
      %dma_start3A_1750 = arith.constant 0 : i32
      %dma_start3A_1751 = tpu.memref_slice %arg3[%add3A_1749, %dma_start3A_1750] : memref<64x16xf32, #tpu.memory_space<hbm>> -> memref<1x16xf32, #tpu.memory_space<hbm>>
      %dma_start3A_1752 = tpu.memref_squeeze %dma_start3A_1751 : memref<1x16xf32, #tpu.memory_space<hbm>> -> memref<16xf32, #tpu.memory_space<hbm>>
      %dma_start3A_1753 = arith.constant 0 : i32
      %dma_start3A_1754 = tpu.memref_slice %arg3[%add3A_1749, %dma_start3A_1753] : memref<64x16xf32, #tpu.memory_space<hbm>> -> memref<1x16xf32, #tpu.memory_space<hbm>>
      %dma_start3A_1755 = tpu.memref_squeeze %dma_start3A_1754 : memref<1x16xf32, #tpu.memory_space<hbm>> -> memref<16xf32, #tpu.memory_space<hbm>>
      tpu.enqueue_dma source(%arg5 : memref<16xf32, #tpu.memory_space<vmem>>) target(%dma_start3A_1755 : memref<16xf32, #tpu.memory_space<hbm>>) target_semaphore(%run_scoped3A : memref<!tpu.dma_semaphore, #tpu.memory_space<semaphore_mem>>)
      %dma_wait3A_1756 = arith.constant 0 : i32
      %dma_wait3A_1757 = tpu.memref_slice %arg3[%add3A_1749, %dma_wait3A_1756] : memref<64x16xf32, #tpu.memory_space<hbm>> -> memref<1x16xf32, #tpu.memory_space<hbm>>
      %dma_wait3A_1758 = tpu.memref_squeeze %dma_wait3A_1757 : memref<1x16xf32, #tpu.memory_space<hbm>> -> memref<16xf32, #tpu.memory_space<hbm>>
      %dma_wait3A_1759 = arith.constant 0 : i32
      %dma_wait3A_1760 = tpu.memref_slice %arg3[%add3A_1749, %dma_wait3A_1759] : memref<64x16xf32, #tpu.memory_space<hbm>> -> memref<1x16xf32, #tpu.memory_space<hbm>>
      %dma_wait3A_1761 = tpu.memref_squeeze %dma_wait3A_1760 : memref<1x16xf32, #tpu.memory_space<hbm>> -> memref<16xf32, #tpu.memory_space<hbm>>
      tpu.wait_dma2 semaphore(%run_scoped3A : memref<!tpu.dma_semaphore, #tpu.memory_space<semaphore_mem>>) src(%arg5 : memref<16xf32, #tpu.memory_space<vmem>>) dst(%dma_wait3A_1761 : memref<16xf32, #tpu.memory_space<hbm>>)
      tpu.yield
    }) : () -> ()
    return
  }
}

module attributes {stable_mosaic.version = 14 : i64} {
  func.func @_tc_zeros_body(%arg0: memref<64x32768xf32, #tpu.memory_space<any>>, %arg1: memref<64x2048xf32, #tpu.memory_space<vmem>>, %arg2: memref<!tpu.dma_semaphore, #tpu.memory_space<semaphore_mem>>) attributes {dimension_semantics = [], scalar_prefetch = 0 : i64, scratch_operands = 2 : i64, tpu.core_type = #tpu.core_type<tc>} {
    %broadcast_in_dim3A = arith.constant 0.000000e+00 : f32
    %broadcast_in_dim3A_0 = vector.broadcast %broadcast_in_dim3A : f32 to vector<64x2048xf32>
    %swap3A = arith.constant 0 : index
    %swap3A_1 = arith.constant 0 : index
    %swap3A_2 = vector.load %arg1[%swap3A, %swap3A_1] : memref<64x2048xf32, #tpu.memory_space<vmem>>, vector<64x2048xf32>
    tpu.vector_store %arg1[%swap3A, %swap3A_1], %broadcast_in_dim3A_0 {strides = array<i32>} : memref<64x2048xf32, #tpu.memory_space<vmem>>, vector<64x2048xf32>,
    %dma_start3A = arith.constant 0 : i32
    %dma_start3A_3 = arith.constant 0 : i32
    %dma_start3A_4 = tpu.memref_slice %arg0[%dma_start3A, %dma_start3A_3] : memref<64x32768xf32, #tpu.memory_space<any>> -> memref<64x2048xf32, #tpu.memory_space<any>>
    tpu.enqueue_dma source(%arg1 : memref<64x2048xf32, #tpu.memory_space<vmem>>) target(%dma_start3A_4 : memref<64x2048xf32, #tpu.memory_space<any>>) target_semaphore(%arg2 : memref<!tpu.dma_semaphore, #tpu.memory_space<semaphore_mem>>)
    %dma_start3A_5 = arith.constant 0 : i32
    %dma_start3A_6 = arith.constant 2048 : i32
    %dma_start3A_7 = tpu.memref_slice %arg0[%dma_start3A_5, %dma_start3A_6] : memref<64x32768xf32, #tpu.memory_space<any>> -> memref<64x2048xf32, #tpu.memory_space<any>>
    tpu.enqueue_dma source(%arg1 : memref<64x2048xf32, #tpu.memory_space<vmem>>) target(%dma_start3A_7 : memref<64x2048xf32, #tpu.memory_space<any>>) target_semaphore(%arg2 : memref<!tpu.dma_semaphore, #tpu.memory_space<semaphore_mem>>)
    %dma_start3A_8 = arith.constant 0 : i32
    %dma_start3A_9 = arith.constant 4096 : i32
    %dma_start3A_10 = tpu.memref_slice %arg0[%dma_start3A_8, %dma_start3A_9] : memref<64x32768xf32, #tpu.memory_space<any>> -> memref<64x2048xf32, #tpu.memory_space<any>>
    tpu.enqueue_dma source(%arg1 : memref<64x2048xf32, #tpu.memory_space<vmem>>) target(%dma_start3A_10 : memref<64x2048xf32, #tpu.memory_space<any>>) target_semaphore(%arg2 : memref<!tpu.dma_semaphore, #tpu.memory_space<semaphore_mem>>)
    %dma_start3A_11 = arith.constant 0 : i32
    %dma_start3A_12 = arith.constant 6144 : i32
    %dma_start3A_13 = tpu.memref_slice %arg0[%dma_start3A_11, %dma_start3A_12] : memref<64x32768xf32, #tpu.memory_space<any>> -> memref<64x2048xf32, #tpu.memory_space<any>>
    tpu.enqueue_dma source(%arg1 : memref<64x2048xf32, #tpu.memory_space<vmem>>) target(%dma_start3A_13 : memref<64x2048xf32, #tpu.memory_space<any>>) target_semaphore(%arg2 : memref<!tpu.dma_semaphore, #tpu.memory_space<semaphore_mem>>)
    %dma_start3A_14 = arith.constant 0 : i32
    %dma_start3A_15 = arith.constant 8192 : i32
    %dma_start3A_16 = tpu.memref_slice %arg0[%dma_start3A_14, %dma_start3A_15] : memref<64x32768xf32, #tpu.memory_space<any>> -> memref<64x2048xf32, #tpu.memory_space<any>>
    tpu.enqueue_dma source(%arg1 : memref<64x2048xf32, #tpu.memory_space<vmem>>) target(%dma_start3A_16 : memref<64x2048xf32, #tpu.memory_space<any>>) target_semaphore(%arg2 : memref<!tpu.dma_semaphore, #tpu.memory_space<semaphore_mem>>)
    %dma_start3A_17 = arith.constant 0 : i32
    %dma_start3A_18 = arith.constant 10240 : i32
    %dma_start3A_19 = tpu.memref_slice %arg0[%dma_start3A_17, %dma_start3A_18] : memref<64x32768xf32, #tpu.memory_space<any>> -> memref<64x2048xf32, #tpu.memory_space<any>>
    tpu.enqueue_dma source(%arg1 : memref<64x2048xf32, #tpu.memory_space<vmem>>) target(%dma_start3A_19 : memref<64x2048xf32, #tpu.memory_space<any>>) target_semaphore(%arg2 : memref<!tpu.dma_semaphore, #tpu.memory_space<semaphore_mem>>)
    %dma_start3A_20 = arith.constant 0 : i32
    %dma_start3A_21 = arith.constant 12288 : i32
    %dma_start3A_22 = tpu.memref_slice %arg0[%dma_start3A_20, %dma_start3A_21] : memref<64x32768xf32, #tpu.memory_space<any>> -> memref<64x2048xf32, #tpu.memory_space<any>>
    tpu.enqueue_dma source(%arg1 : memref<64x2048xf32, #tpu.memory_space<vmem>>) target(%dma_start3A_22 : memref<64x2048xf32, #tpu.memory_space<any>>) target_semaphore(%arg2 : memref<!tpu.dma_semaphore, #tpu.memory_space<semaphore_mem>>)
    %dma_start3A_23 = arith.constant 0 : i32
    %dma_start3A_24 = arith.constant 14336 : i32
    %dma_start3A_25 = tpu.memref_slice %arg0[%dma_start3A_23, %dma_start3A_24] : memref<64x32768xf32, #tpu.memory_space<any>> -> memref<64x2048xf32, #tpu.memory_space<any>>
    tpu.enqueue_dma source(%arg1 : memref<64x2048xf32, #tpu.memory_space<vmem>>) target(%dma_start3A_25 : memref<64x2048xf32, #tpu.memory_space<any>>) target_semaphore(%arg2 : memref<!tpu.dma_semaphore, #tpu.memory_space<semaphore_mem>>)
    %dma_start3A_26 = arith.constant 0 : i32
    %dma_start3A_27 = arith.constant 16384 : i32
    %dma_start3A_28 = tpu.memref_slice %arg0[%dma_start3A_26, %dma_start3A_27] : memref<64x32768xf32, #tpu.memory_space<any>> -> memref<64x2048xf32, #tpu.memory_space<any>>
    tpu.enqueue_dma source(%arg1 : memref<64x2048xf32, #tpu.memory_space<vmem>>) target(%dma_start3A_28 : memref<64x2048xf32, #tpu.memory_space<any>>) target_semaphore(%arg2 : memref<!tpu.dma_semaphore, #tpu.memory_space<semaphore_mem>>)
    %dma_start3A_29 = arith.constant 0 : i32
    %dma_start3A_30 = arith.constant 18432 : i32
    %dma_start3A_31 = tpu.memref_slice %arg0[%dma_start3A_29, %dma_start3A_30] : memref<64x32768xf32, #tpu.memory_space<any>> -> memref<64x2048xf32, #tpu.memory_space<any>>
    tpu.enqueue_dma source(%arg1 : memref<64x2048xf32, #tpu.memory_space<vmem>>) target(%dma_start3A_31 : memref<64x2048xf32, #tpu.memory_space<any>>) target_semaphore(%arg2 : memref<!tpu.dma_semaphore, #tpu.memory_space<semaphore_mem>>)
    %dma_start3A_32 = arith.constant 0 : i32
    %dma_start3A_33 = arith.constant 20480 : i32
    %dma_start3A_34 = tpu.memref_slice %arg0[%dma_start3A_32, %dma_start3A_33] : memref<64x32768xf32, #tpu.memory_space<any>> -> memref<64x2048xf32, #tpu.memory_space<any>>
    tpu.enqueue_dma source(%arg1 : memref<64x2048xf32, #tpu.memory_space<vmem>>) target(%dma_start3A_34 : memref<64x2048xf32, #tpu.memory_space<any>>) target_semaphore(%arg2 : memref<!tpu.dma_semaphore, #tpu.memory_space<semaphore_mem>>)
    %dma_start3A_35 = arith.constant 0 : i32
    %dma_start3A_36 = arith.constant 22528 : i32
    %dma_start3A_37 = tpu.memref_slice %arg0[%dma_start3A_35, %dma_start3A_36] : memref<64x32768xf32, #tpu.memory_space<any>> -> memref<64x2048xf32, #tpu.memory_space<any>>
    tpu.enqueue_dma source(%arg1 : memref<64x2048xf32, #tpu.memory_space<vmem>>) target(%dma_start3A_37 : memref<64x2048xf32, #tpu.memory_space<any>>) target_semaphore(%arg2 : memref<!tpu.dma_semaphore, #tpu.memory_space<semaphore_mem>>)
    %dma_start3A_38 = arith.constant 0 : i32
    %dma_start3A_39 = arith.constant 24576 : i32
    %dma_start3A_40 = tpu.memref_slice %arg0[%dma_start3A_38, %dma_start3A_39] : memref<64x32768xf32, #tpu.memory_space<any>> -> memref<64x2048xf32, #tpu.memory_space<any>>
    tpu.enqueue_dma source(%arg1 : memref<64x2048xf32, #tpu.memory_space<vmem>>) target(%dma_start3A_40 : memref<64x2048xf32, #tpu.memory_space<any>>) target_semaphore(%arg2 : memref<!tpu.dma_semaphore, #tpu.memory_space<semaphore_mem>>)
    %dma_start3A_41 = arith.constant 0 : i32
    %dma_start3A_42 = arith.constant 26624 : i32
    %dma_start3A_43 = tpu.memref_slice %arg0[%dma_start3A_41, %dma_start3A_42] : memref<64x32768xf32, #tpu.memory_space<any>> -> memref<64x2048xf32, #tpu.memory_space<any>>
    tpu.enqueue_dma source(%arg1 : memref<64x2048xf32, #tpu.memory_space<vmem>>) target(%dma_start3A_43 : memref<64x2048xf32, #tpu.memory_space<any>>) target_semaphore(%arg2 : memref<!tpu.dma_semaphore, #tpu.memory_space<semaphore_mem>>)
    %dma_start3A_44 = arith.constant 0 : i32
    %dma_start3A_45 = arith.constant 28672 : i32
    %dma_start3A_46 = tpu.memref_slice %arg0[%dma_start3A_44, %dma_start3A_45] : memref<64x32768xf32, #tpu.memory_space<any>> -> memref<64x2048xf32, #tpu.memory_space<any>>
    tpu.enqueue_dma source(%arg1 : memref<64x2048xf32, #tpu.memory_space<vmem>>) target(%dma_start3A_46 : memref<64x2048xf32, #tpu.memory_space<any>>) target_semaphore(%arg2 : memref<!tpu.dma_semaphore, #tpu.memory_space<semaphore_mem>>)
    %dma_start3A_47 = arith.constant 0 : i32
    %dma_start3A_48 = arith.constant 30720 : i32
    %dma_start3A_49 = tpu.memref_slice %arg0[%dma_start3A_47, %dma_start3A_48] : memref<64x32768xf32, #tpu.memory_space<any>> -> memref<64x2048xf32, #tpu.memory_space<any>>
    tpu.enqueue_dma source(%arg1 : memref<64x2048xf32, #tpu.memory_space<vmem>>) target(%dma_start3A_49 : memref<64x2048xf32, #tpu.memory_space<any>>) target_semaphore(%arg2 : memref<!tpu.dma_semaphore, #tpu.memory_space<semaphore_mem>>)
    %dma_wait3A = arith.constant 0 : i32
    %dma_wait3A_50 = arith.constant 0 : i32
    %dma_wait3A_51 = tpu.memref_slice %arg0[%dma_wait3A, %dma_wait3A_50] : memref<64x32768xf32, #tpu.memory_space<any>> -> memref<64x2048xf32, #tpu.memory_space<any>>
    tpu.wait_dma2 semaphore(%arg2 : memref<!tpu.dma_semaphore, #tpu.memory_space<semaphore_mem>>) src(%arg1 : memref<64x2048xf32, #tpu.memory_space<vmem>>) dst(%dma_wait3A_51 : memref<64x2048xf32, #tpu.memory_space<any>>)
    %dma_wait3A_52 = arith.constant 0 : i32
    %dma_wait3A_53 = arith.constant 2048 : i32
    %dma_wait3A_54 = tpu.memref_slice %arg0[%dma_wait3A_52, %dma_wait3A_53] : memref<64x32768xf32, #tpu.memory_space<any>> -> memref<64x2048xf32, #tpu.memory_space<any>>
    tpu.wait_dma2 semaphore(%arg2 : memref<!tpu.dma_semaphore, #tpu.memory_space<semaphore_mem>>) src(%arg1 : memref<64x2048xf32, #tpu.memory_space<vmem>>) dst(%dma_wait3A_54 : memref<64x2048xf32, #tpu.memory_space<any>>)
    %dma_wait3A_55 = arith.constant 0 : i32
    %dma_wait3A_56 = arith.constant 4096 : i32
    %dma_wait3A_57 = tpu.memref_slice %arg0[%dma_wait3A_55, %dma_wait3A_56] : memref<64x32768xf32, #tpu.memory_space<any>> -> memref<64x2048xf32, #tpu.memory_space<any>>
    tpu.wait_dma2 semaphore(%arg2 : memref<!tpu.dma_semaphore, #tpu.memory_space<semaphore_mem>>) src(%arg1 : memref<64x2048xf32, #tpu.memory_space<vmem>>) dst(%dma_wait3A_57 : memref<64x2048xf32, #tpu.memory_space<any>>)
    %dma_wait3A_58 = arith.constant 0 : i32
    %dma_wait3A_59 = arith.constant 6144 : i32
    %dma_wait3A_60 = tpu.memref_slice %arg0[%dma_wait3A_58, %dma_wait3A_59] : memref<64x32768xf32, #tpu.memory_space<any>> -> memref<64x2048xf32, #tpu.memory_space<any>>
    tpu.wait_dma2 semaphore(%arg2 : memref<!tpu.dma_semaphore, #tpu.memory_space<semaphore_mem>>) src(%arg1 : memref<64x2048xf32, #tpu.memory_space<vmem>>) dst(%dma_wait3A_60 : memref<64x2048xf32, #tpu.memory_space<any>>)
    %dma_wait3A_61 = arith.constant 0 : i32
    %dma_wait3A_62 = arith.constant 8192 : i32
    %dma_wait3A_63 = tpu.memref_slice %arg0[%dma_wait3A_61, %dma_wait3A_62] : memref<64x32768xf32, #tpu.memory_space<any>> -> memref<64x2048xf32, #tpu.memory_space<any>>
    tpu.wait_dma2 semaphore(%arg2 : memref<!tpu.dma_semaphore, #tpu.memory_space<semaphore_mem>>) src(%arg1 : memref<64x2048xf32, #tpu.memory_space<vmem>>) dst(%dma_wait3A_63 : memref<64x2048xf32, #tpu.memory_space<any>>)
    %dma_wait3A_64 = arith.constant 0 : i32
    %dma_wait3A_65 = arith.constant 10240 : i32
    %dma_wait3A_66 = tpu.memref_slice %arg0[%dma_wait3A_64, %dma_wait3A_65] : memref<64x32768xf32, #tpu.memory_space<any>> -> memref<64x2048xf32, #tpu.memory_space<any>>
    tpu.wait_dma2 semaphore(%arg2 : memref<!tpu.dma_semaphore, #tpu.memory_space<semaphore_mem>>) src(%arg1 : memref<64x2048xf32, #tpu.memory_space<vmem>>) dst(%dma_wait3A_66 : memref<64x2048xf32, #tpu.memory_space<any>>)
    %dma_wait3A_67 = arith.constant 0 : i32
    %dma_wait3A_68 = arith.constant 12288 : i32
    %dma_wait3A_69 = tpu.memref_slice %arg0[%dma_wait3A_67, %dma_wait3A_68] : memref<64x32768xf32, #tpu.memory_space<any>> -> memref<64x2048xf32, #tpu.memory_space<any>>
    tpu.wait_dma2 semaphore(%arg2 : memref<!tpu.dma_semaphore, #tpu.memory_space<semaphore_mem>>) src(%arg1 : memref<64x2048xf32, #tpu.memory_space<vmem>>) dst(%dma_wait3A_69 : memref<64x2048xf32, #tpu.memory_space<any>>)
    %dma_wait3A_70 = arith.constant 0 : i32
    %dma_wait3A_71 = arith.constant 14336 : i32
    %dma_wait3A_72 = tpu.memref_slice %arg0[%dma_wait3A_70, %dma_wait3A_71] : memref<64x32768xf32, #tpu.memory_space<any>> -> memref<64x2048xf32, #tpu.memory_space<any>>
    tpu.wait_dma2 semaphore(%arg2 : memref<!tpu.dma_semaphore, #tpu.memory_space<semaphore_mem>>) src(%arg1 : memref<64x2048xf32, #tpu.memory_space<vmem>>) dst(%dma_wait3A_72 : memref<64x2048xf32, #tpu.memory_space<any>>)
    %dma_wait3A_73 = arith.constant 0 : i32
    %dma_wait3A_74 = arith.constant 16384 : i32
    %dma_wait3A_75 = tpu.memref_slice %arg0[%dma_wait3A_73, %dma_wait3A_74] : memref<64x32768xf32, #tpu.memory_space<any>> -> memref<64x2048xf32, #tpu.memory_space<any>>
    tpu.wait_dma2 semaphore(%arg2 : memref<!tpu.dma_semaphore, #tpu.memory_space<semaphore_mem>>) src(%arg1 : memref<64x2048xf32, #tpu.memory_space<vmem>>) dst(%dma_wait3A_75 : memref<64x2048xf32, #tpu.memory_space<any>>)
    %dma_wait3A_76 = arith.constant 0 : i32
    %dma_wait3A_77 = arith.constant 18432 : i32
    %dma_wait3A_78 = tpu.memref_slice %arg0[%dma_wait3A_76, %dma_wait3A_77] : memref<64x32768xf32, #tpu.memory_space<any>> -> memref<64x2048xf32, #tpu.memory_space<any>>
    tpu.wait_dma2 semaphore(%arg2 : memref<!tpu.dma_semaphore, #tpu.memory_space<semaphore_mem>>) src(%arg1 : memref<64x2048xf32, #tpu.memory_space<vmem>>) dst(%dma_wait3A_78 : memref<64x2048xf32, #tpu.memory_space<any>>)
    %dma_wait3A_79 = arith.constant 0 : i32
    %dma_wait3A_80 = arith.constant 20480 : i32
    %dma_wait3A_81 = tpu.memref_slice %arg0[%dma_wait3A_79, %dma_wait3A_80] : memref<64x32768xf32, #tpu.memory_space<any>> -> memref<64x2048xf32, #tpu.memory_space<any>>
    tpu.wait_dma2 semaphore(%arg2 : memref<!tpu.dma_semaphore, #tpu.memory_space<semaphore_mem>>) src(%arg1 : memref<64x2048xf32, #tpu.memory_space<vmem>>) dst(%dma_wait3A_81 : memref<64x2048xf32, #tpu.memory_space<any>>)
    %dma_wait3A_82 = arith.constant 0 : i32
    %dma_wait3A_83 = arith.constant 22528 : i32
    %dma_wait3A_84 = tpu.memref_slice %arg0[%dma_wait3A_82, %dma_wait3A_83] : memref<64x32768xf32, #tpu.memory_space<any>> -> memref<64x2048xf32, #tpu.memory_space<any>>
    tpu.wait_dma2 semaphore(%arg2 : memref<!tpu.dma_semaphore, #tpu.memory_space<semaphore_mem>>) src(%arg1 : memref<64x2048xf32, #tpu.memory_space<vmem>>) dst(%dma_wait3A_84 : memref<64x2048xf32, #tpu.memory_space<any>>)
    %dma_wait3A_85 = arith.constant 0 : i32
    %dma_wait3A_86 = arith.constant 24576 : i32
    %dma_wait3A_87 = tpu.memref_slice %arg0[%dma_wait3A_85, %dma_wait3A_86] : memref<64x32768xf32, #tpu.memory_space<any>> -> memref<64x2048xf32, #tpu.memory_space<any>>
    tpu.wait_dma2 semaphore(%arg2 : memref<!tpu.dma_semaphore, #tpu.memory_space<semaphore_mem>>) src(%arg1 : memref<64x2048xf32, #tpu.memory_space<vmem>>) dst(%dma_wait3A_87 : memref<64x2048xf32, #tpu.memory_space<any>>)
    %dma_wait3A_88 = arith.constant 0 : i32
    %dma_wait3A_89 = arith.constant 26624 : i32
    %dma_wait3A_90 = tpu.memref_slice %arg0[%dma_wait3A_88, %dma_wait3A_89] : memref<64x32768xf32, #tpu.memory_space<any>> -> memref<64x2048xf32, #tpu.memory_space<any>>
    tpu.wait_dma2 semaphore(%arg2 : memref<!tpu.dma_semaphore, #tpu.memory_space<semaphore_mem>>) src(%arg1 : memref<64x2048xf32, #tpu.memory_space<vmem>>) dst(%dma_wait3A_90 : memref<64x2048xf32, #tpu.memory_space<any>>)
    %dma_wait3A_91 = arith.constant 0 : i32
    %dma_wait3A_92 = arith.constant 28672 : i32
    %dma_wait3A_93 = tpu.memref_slice %arg0[%dma_wait3A_91, %dma_wait3A_92] : memref<64x32768xf32, #tpu.memory_space<any>> -> memref<64x2048xf32, #tpu.memory_space<any>>
    tpu.wait_dma2 semaphore(%arg2 : memref<!tpu.dma_semaphore, #tpu.memory_space<semaphore_mem>>) src(%arg1 : memref<64x2048xf32, #tpu.memory_space<vmem>>) dst(%dma_wait3A_93 : memref<64x2048xf32, #tpu.memory_space<any>>)
    %dma_wait3A_94 = arith.constant 0 : i32
    %dma_wait3A_95 = arith.constant 30720 : i32
    %dma_wait3A_96 = tpu.memref_slice %arg0[%dma_wait3A_94, %dma_wait3A_95] : memref<64x32768xf32, #tpu.memory_space<any>> -> memref<64x2048xf32, #tpu.memory_space<any>>
    tpu.wait_dma2 semaphore(%arg2 : memref<!tpu.dma_semaphore, #tpu.memory_space<semaphore_mem>>) src(%arg1 : memref<64x2048xf32, #tpu.memory_space<vmem>>) dst(%dma_wait3A_96 : memref<64x2048xf32, #tpu.memory_space<any>>)
    return
  }
}

</mosaic_0001>

<sc_bundles>
// kernel: kernel.4.cloned.1.call-start
scs
__scs_entry_jumppad:
0x0: {  	(pc) =	sbr.rel $0x88, $3  }
0x1: {  	(tag) =	ssettag $0x0;
	lr =	simm.s32 $0x1  }
0x2: {  	[smem:$0x3FA0] =	sst lr;
	_ =	strace $0xD0000000  }
0x3: {  	_ = 	snop  }
0x4: {  	_ = 	snop  }
0x5: {  	_ = 	snop  }
0x6: {  	_ = 	snop  }
0x7: {  	_ = 	snop  }
__scs_overlays_trampoline_lowered:
0x8: {  	[smem:$0x3FAF] =	sst s0  }
0x9: {  	[smem:$0x3FB0] =	sst s1  }
0xa: {  	[smem:$0x3FB1] =	sst s2  }
0xb: {  	[smem:$0x3FB2] =	sst s3  }
0xc: {  	[smem:$0x3FB3] =	sst s4  }
0xd: {  	[smem:$0x3FB4] =	sst s5  }
0xe: {  	[smem:$0x3FB5] =	sst s6  }
0xf: {  	[smem:$0x3FB6] =	sst s7  }
0x10: {  	[smem:$0x3FB7] =	sst s8  }
0x11: {  	[smem:$0x3FB8] =	sst s9;
	s0 =	simm.s32 @!p0 $0x0  }
0x12: {  	s1 =	sld [smem:$0x3F9E];
	s0 =	simm.s32 @p0 $0x1  }
0x13: {  	[smem:$0x3FB9] =	sst s0;
	s0 =	simm.s32 @!p1 $0x0  }
0x14: {  	s2 =	sld [smem:$0x3F9D];
	s0 =	simm.s32 @p1 $0x1  }
0x15: {  	[smem:$0x3FBA] =	sst s0;
	s0 =	simm.s32 @!p2 $0x0  }
0x16: {  	s3 =	sld [smem:$0x3FDB];
	s0 =	simm.s32 @p2 $0x1  }
0x17: {  	s4 =	simm.s32 $0x1BF5;
	[smem:$0x3FBC] =	sst s0  }
0x18: {  	s0 =	sld [smem:$0x3F9F];
	_ =	swait.ge [sflag:s4], $0x0  }
0x19: {  	s7 =	sld [smem:$0x3FA0]  }
0x1a: {  	s8 =	sadd.s32 $0xFFFFE003, lr  }
0x1b: {  	s9 =	sadd.s32 $0xFFFFFEF7, lr;
	s5 =	simm.s32 $0xFFFFFFFF;
	p2 =	slt.u32 s8, $0xFFFFF086  }
0x1c: {  	p1 =	slt.u32 s9, $0xF7A;
	s5 =	simm.s32 @!p2 $0x0  }
0x1d: {  	s5 =	simm.s32 @p1 $0x1;
	p0 =	seq.s32 s7, s2  }
0x1e: {  	s7 =	smul.u32 @!p0 $0xF7A, s2;
	p2 =	seq.s32 @!p0 s5, $0x0  }
0x1f: {  	s9 =	smul.u32 $0xF7A, s1;
	s8 =	simm.s32 @!p0 $0x1BF5;
	p2 =	por !p2, p0  }
0x20: {  	[sflag:s8] =	ssyncset.s32 @!p0 $0xFFFFF086;
	s6 =	sadd.s32 @!p0 s3, s7;
	s7 =	simm.s32 @!p0 $0x108  }
0x21: {  	s3 =	sadd.s32 s3, s9;
	s6 =	sadd.s32 @!p0 $0x88, s6;
	s7 =	simm.s32 @p2 $0x1082  }
0x22: {  	[simem:s7], [sflag:s8] =	dma.local @!p0 [hbm:s6], $0xF7A  }
0x23: {  	s9 =	sor.u32 $0xD0000000, s2;
	s6 =	simm.s32 $0x108;
	_ =	swait.ge @!p0 [sflag:s8], $0x0  }
0x24: {  	s3 =	sadd.s32 $0x88, s3;
	s6 =	simm.s32 @!p1 $0x1082;
	[sflag:s4] =	ssyncset.s32 $0xFFFFF086  }
0x25: {  	[simem:s6], [sflag:s4] =	dma.local [hbm:s3], $0xF7A  }
0x26: {  	[smem:$0x3FA0] =	sst s1;
	(tag) =	ssettag s2;
	_ =	strace s9  }
0x27: {  	s1 =	sld [smem:$0x3FB0]  }
0x28: {  	s2 =	sld [smem:$0x3FB1]  }
0x29: {  	s4 =	sld [smem:$0x3FB3]  }
0x2a: {  	p0 =	seq.s32 s5, $0x0;
	s5 =	sld [smem:$0x3FB4]  }
0x2b: {  	s6 =	sld [smem:$0x3FB5]  }
0x2c: {  	s7 =	sld [smem:$0x3FB6]  }
0x2d: {  	s3 =	simm.s32 $0x108;
	s8 =	sld [smem:$0x3FB7]  }
0x2e: {  	s3 =	simm.s32 @!p0 $0x1082;
	s9 =	sld [smem:$0x3FB8]  }
0x2f: {  	lr =	sadd.s32 s0, s3;
	s0 =	sld [smem:$0x3FAF]  }
0x30: {  	s3 =	sld [smem:$0x3FB2]  }
0x31: {  	[smem:$0x3FBB] =	sst s10  }
0x32: {  	s10 =	sld [smem:$0x3FB9];
	_ =	sdelay $0x3  }
0x33: {  	p0 =	seq.s32 s10, $0x1;
	s10 =	sld [smem:$0x3FBB];
	_ =	sdelay $0x3  }
0x34: {  	[smem:$0x3FBB] =	sst s10  }
0x35: {  	s10 =	sld [smem:$0x3FBA];
	_ =	sdelay $0x3  }
0x36: {  	p1 =	seq.s32 s10, $0x1;
	s10 =	sld [smem:$0x3FBB];
	_ =	sdelay $0x3  }
0x37: {  	[smem:$0x3FBB] =	sst s10  }
0x38: {  	s10 =	sld [smem:$0x3FBC]  }
0x39: {  	_ = 	snop;
	(pc) =	sbr.ind lr, $3  }
0x3a: {  	_ = 	snop  }
0x3b: {  	_ = 	snop  }
0x3c: {  	p2 =	seq.s32 s10, $0x1;
	s10 =	sld [smem:$0x3FBB]  }
0x3d: {  	_ =	shalt  }
0x3e: {  	_ =	shalt  }
0x3f: {  	_ =	shalt  }
0x40: {  	_ =	shalt  }
0x41: {  	_ =	shalt  }
0x42: {  	_ =	shalt  }
0x43: {  	_ =	shalt  }
0x44: {  	_ =	shalt  }
0x45: {  	_ =	shalt  }
0x46: {  	_ =	shalt  }
0x47: {  	_ =	shalt  }
0x48: {  	_ =	shalt  }
0x49: {  	_ =	shalt  }
0x4a: {  	_ =	shalt  }
0x4b: {  	_ =	shalt  }
0x4c: {  	_ =	shalt  }
0x4d: {  	_ =	shalt  }
0x4e: {  	_ =	shalt  }
0x4f: {  	_ =	shalt  }
0x50: {  	_ =	shalt  }
0x51: {  	_ =	shalt  }
0x52: {  	_ =	shalt  }
0x53: {  	_ =	shalt  }
0x54: {  	_ =	shalt  }
0x55: {  	_ =	shalt  }
0x56: {  	_ =	shalt  }
0x57: {  	_ =	shalt  }
0x58: {  	_ =	shalt  }
0x59: {  	_ =	shalt  }
0x5a: {  	_ =	shalt  }
0x5b: {  	_ =	shalt  }
0x5c: {  	_ =	shalt  }
0x5d: {  	_ =	shalt  }
0x5e: {  	_ =	shalt  }
0x5f: {  	_ =	shalt  }
0x60: {  	_ =	shalt  }
0x61: {  	_ =	shalt  }
0x62: {  	_ =	shalt  }
0x63: {  	_ =	shalt  }
0x64: {  	_ =	shalt  }
0x65: {  	_ =	shalt  }
0x66: {  	_ =	shalt  }
0x67: {  	_ =	shalt  }
0x68: {  	_ =	shalt  }
0x69: {  	_ =	shalt  }
0x6a: {  	_ =	shalt  }
0x6b: {  	_ =	shalt  }
0x6c: {  	_ =	shalt  }
0x6d: {  	_ =	shalt  }
0x6e: {  	_ =	shalt  }
0x6f: {  	_ =	shalt  }
0x70: {  	_ =	shalt  }
0x71: {  	_ =	shalt  }
0x72: {  	_ =	shalt  }
0x73: {  	_ =	shalt  }
0x74: {  	_ =	shalt  }
0x75: {  	_ =	shalt  }
0x76: {  	_ =	shalt  }
0x77: {  	_ =	shalt  }
0x78: {  	_ =	shalt  }
0x79: {  	_ =	shalt  }
0x7a: {  	_ =	shalt  }
0x7b: {  	_ =	shalt  }
0x7c: {  	_ =	shalt  }
0x7d: {  	_ =	shalt  }
0x7e: {  	_ =	shalt  }
0x7f: {  	_ =	shalt  }
0x80: {  	_ =	shalt  }
0x81: {  	_ =	shalt  }
0x82: {  	_ =	shalt  }
0x83: {  	_ =	shalt  }
0x84: {  	_ =	shalt  }
0x85: {  	_ =	shalt  }
0x86: {  	_ =	shalt  }
0x87: {  	_ =	shalt  }
.Lfunc_end0:
.L_simem_size_0:
called_computation_lowered:
.L_overlay_start_0:
0x88: {  	s2 =	sld [smem:$0x3FD9]  }
0x89: {  	s3 =	sld [smem:$0x3FFE];
	_ =	sdelay $0x1  }
0x8a: {  	s1 =	srdreg.scid  }
0x8b: {  	s0 =	sand.u32 $0x1, s1  }
0x8c: {  	s17 =	sshll.u32 s0, $0xA;
	s2 =	sadd.s32 s3, s2  }
0x8d: {  	s2 =	sadd.s32 s2, s17  }
0x8e: {  	[smem:$0x3FC7] =	sst s2  }
0x8f: {  	_ = 	snop  }
0x90: {  	s2 =	sld [smem:$0x3FC9];
	(tm) =	ssettm $0x1  }
0x91: {  	s18 =	sld [smem:$0x3FFB];
	_ =	sdelay $0x3  }
0x92: {  	_ =	strace s18  }
0x93: {  	s3 =	sld [smem:$0x3FFC];
	_ =	sdelay $0x3  }
0x94: {  	_ =	strace s3  }
0x95: {  	s3 =	sld [smem:$0x3FFD];
	_ =	sdelay $0x3  }
0x96: {  	_ =	strace s3  }
0x97: {  	_ =	strace $0x8FFFFFFF  }
0x98: {  	s19 =	sld [smem:$0x3FDB];
	_ =	sdelay $0x1  }
0x99: {  	s4 =	simm.s32 $_scs_section_size  }
0x9a: {  	s5 =	simm.s32 $_size__tile_overlayer_lowered;
	s6 =	simm.s32 $_tile_overlayer_lowered  }
0x9b: {  	s22 =	simm.s32 $0x1BFF;
	s21 =	sshll.u32 s6, $0x1;
	s3 =	sadd.s32 s4, s19  }
0x9c: {  	s7 =	simm.s32 $0x0;
	s20 =	sshll.u32 s5, $0x1;
	s5 =	sadd.s32 s21, s3  }
0x9d: {  	[timem:s7], [sflag:s22] =	dma.local [hbm:s5], s20  }
0x9e: {  	_ =	swait.ge [sflag:s22], s20  }
0x9f: {  	s4 =	ssub.s32 $0x0, s20;
	[sflag:s22] =	ssyncset.done $0x0  }
0xa0: {  	[sflag:s22] =	ssyncadd.s32 s4;
	_ =	sdelay $0x1  }
0xa1: {  	s23 =	simm.s32 $0x1B8B  }
0xa2: {  	_ =	swait.ge [sflag:s23], $0x1  }
0xa3: {  	[sflag:s23] =	ssyncset.done $0x0  }
0xa4: {  	s25 =	simm.s32 $0x1B8E;
	s24 =	sld [smem:$0x3FFE];
	[sflag:s23] =	ssyncadd.s32 $0xFFFFFFFF  }
0xa5: {  	s26 =	simm.s32 $execute0_lowered;
	[smem:$0x3FD2] =	sst s25  }
0xa6: {  	s5 =	sshll.u32 s26, $0x1;
	_ =	strace $0x80000046;
	[dreg:$0x1] =	wrdreg $0xFFFFFFFF  }
0xa7: {  	s28 =	simm.s32 $_size_execute0_lowered;
	s3 =	sadd.s32 s3, s5;
	[dreg:$0x0] =	wrdreg $0x0  }
0xa8: {  	s5 =	sshll.u32 s28, $0x1;
	[dreg:$0x2] =	wrdreg s3  }
0xa9: {  	[dreg:$0x3] =	wrdreg s5  }
0xaa: {  	[dreg:$0x4] =	wrdreg $0xC0  }
0xab: {  	_ =	task [dreg:s7], $0x5FFFF  }
0xac: {  	[dreg:$0x1] =	wrdreg $0xFFFFFFFF  }
0xad: {  	[dreg:$0x0] =	wrdreg $0x60  }
0xae: {  	[dreg:$0x2] =	wrdreg s2  }
0xaf: {  	[dreg:$0x3] =	wrdreg s24  }
0xb0: {  	[dreg:$0x4] =	wrdreg $0x9  }
0xb1: {  	_ =	task.clear_ibuf [dreg:s7], $0x5FFFF;
	_ =	strace $0x90000046  }
0xb2: {  	s29 =	simm.s32 $0x9;
	_ =	strace $0x80000048  }
0xb3: {  	_ =	swait.ge [sflag:s29], $0x1  }
0xb4: {  	[sflag:s29] =	ssyncadd.s32 $0xFFFFFFFF  }
0xb5: {  	_ =	strace $0x90000048  }
0xb6: {  	_ =	sfence  }
0xb7: {  	s30 =	sld [smem:$0x0];
	_ =	sdelay $0x2  }
0xb8: {  	s31 =	sshll.u32 s1, $0xD;
	s1 =	sshrl.u32 s1, $0x2  }
0xb9: {  	s3 =	sand.u32 $0x4000, s31;
	s1 =	sadd.s32 s1, s30  }
0xba: {  	s0 =	sor.u32 s3, s0;
	s1 =	sshll.u32 s1, $0x11  }
0xbb: {  	s0 =	sor.u32 s1, s0  }
0xbc: {  	s0 =	sadd.s32 $0x8F2B, s0  }
0xbd: {  	[sflag:s0] =	ssyncadd.remote.s32 $0x1  }
0xbe: {  	_ =	sfence.sel $0xFFFF  }
0xbf: {  	[dreg:$0x0] =	wrdreg $0xFFFFFFFF;
	(pc) =	sbr.abs _section_cstart, $3  }
0xc0: {  	[dreg:$0x1] =	wrdreg $0xFFFFFFFF  }
0xc1: {  	_ =	task.clear_ibuf [dreg:s7], $0x2FFFF;
	_ =	strace $0x9FFFFFFF  }
0xc2: {  	(tm) =	ssettm $0x7FFFFFFF  }
0xc3: {  	_ =	shalt  }
tec
execute0_lowered:
.L_overlay_start_1:
0x0: {  	(tag) =	ssettag $0x1  }
0x1: {  	v0 =	vimm.f32 $7.071057560e-01;
	vm14 =	vcmask $0x300  }
0x2: {  	v1 =	vimm.s32 $0x4A0112;
	vm13 =	vcmask $0x704;
	vm12 =	vcmask $0xB08  }
0x3: {  	v2 =	vimm.s32 $0x6A054206;
	vm11 =	vcmask $0xF0C;
	vm10 =	vcmask $0x1310  }
0x4: {  	vm0 =	vcmask $0x1F10;
	vm9 =	vcmask $0x1714;
	vm8 =	vcmask $0x1B18  }
0x5: {  	vm7 =	vcmask $0x1F1C;
	v3 =	vimm.s32 $0x14BD812C;
	vm6 =	vcmask $0x2320  }
0x6: {  	vm5 =	vcmask $0x2724;
	vm4 =	vcmask $0x2B28;
	vm3 =	vcmask $0x2F2C  }
0x7: {  	vm2 =	vcmask $0x3330;
	vm1 =	vcmask $0x3B38;
	v4 =	vimm.s32 $0x219220B  }
0x8: {  	v5 =	vimm.f32 $5.688048600e-01;
	vm15 =	vcmask $0x1B0C;
	v6 =	vimm.s32 $0x343E003C  }
0x9: {  	v7 =	vimm.s32 $0x680E2B0F;
	v8 =	vimm.s32 $0x1FF;
	v9 =	vimm.s32 $0x58160008  }
0xa: {  	v10 =	vimm.s32 $0x64;
	v11 =	vimm.s32 $0x3A00472A;
	v0 =	vsel vm14, $0x3F3EB4BB, v0  }
0xb: {  	v13 =	vimm.f32 $4.472565350e-01;
	v14 =	vimm.s32 $0x7044278C;
	v0 =	vsel vm13, $0x3F6EDB40, v0  }
0xc: {  	v15 =	vimm.s32 $0x7E83C530;
	v17 =	vimm.f32 $4.990936520e-01;
	v0 =	vsel vm12, $0x3F263D17, v0  }
0xd: {  	v1 =	vunpack.c.0.s8.s32 v1;
	v2 =	vunpack.c.0.s8.s32 v2;
	v0 =	vsel vm11, $0x3F800000, v0  }
0xe: {  	v3 =	vunpack.c.0.s8.s32 v3;
	v4 =	vunpack.c.0.s8.s32 v4;
	v0 =	vsel vm10, $0x3F52BB58, v0  }
0xf: {  	v5 =	vsel vm14, $0x3F018F12, v5;
	v6 =	vunpack.c.0.s8.s32 v6;
	v0 =	vsel vm9, $0x3F281FDC, v0  }
0x10: {  	v7 =	vunpack.c.0.s8.s32 v7;
	v8 =	vsel vm14, $0x8B2, v8;
	v0 =	vsel vm8, $0x3F560164, v0  }
0x11: {  	v1 =	vsel vm0, v2, v1;
	v2 =	vimm.s32 $0x1F03071E;
	v0 =	vsel vm7, $0x3F206F4D, v0  }
0x12: {  	v10 =	vsel vm14, $0xA9E, v10;
	v2 =	vunpack.c.0.s8.s32 v2;
	v0 =	vsel vm6, $0x3F2EF399, v0  }
0x13: {  	v11 =	vunpack.c.0.s8.s32 v11;
	v3 =	vand.u32 $0xFF, v3;
	v0 =	vsel vm5, $0x3F1D5745, v0  }
0x14: {  	v14 =	vunpack.c.0.s8.s32 v14;
	v2 =	vsel vm0, v2, v3;
	v0 =	vsel vm4, $0x3F177B1A, v0  }
0x15: {  	v15 =	vunpack.c.0.s8.s32 v15;
	v3 =	vsel vm3, $0x3F3CCE8D, v0;
	v0 =	vcombine.low v1, v2  }
0x16: {  	v2 =	vimm.s32 $0x119;
	v1 =	vsel vm2, $0x3F35983F, v3;
	v3 =	vimm.s32 $0x10DEB12E  }
0x17: {  	v8 =	vsel vm13, $0x25, v8;
	v2 =	vsel vm14, $0x389, v2;
	v3 =	vunpack.c.0.s8.s32 v3  }
0x18: {  	v10 =	vsel vm13, $0x24, v10;
	v14 =	vand.u32 $0xFF, v14;
	v2 =	vsel vm13, $0x96, v2  }
0x19: {  	vm0 =	vcmask $0x3734;
	v2 =	vsel vm12, $0xE0A, v2;
	v3 =	vand.u32 $0xFF, v3  }
0x1a: {  	v15 =	vand.u32 $0xFF, v15;
	v1 =	vsel vm0, $0x3F4FEFC2, v1;
	v2 =	vsel vm15, v3, v2  }
0x1b: {  	v3 =	vand.u32 $0xFF, v4;
	v4 =	vsel vm13, $0x3F1B0083, v5;
	v5 =	vimm.s32 $0xA76  }
0x1c: {  	v1 =	vsel vm1, $0x3F5EDC64, v1;
	v4 =	vsel vm12, $0x3EE192B9, v4;
	v5 =	vsel vm14, $0x1A, v5  }
0x1d: {  	vm15 =	vcmask $0x1308;
	v4 =	vsel vm11, $0x3F40D6C7, v4;
	v5 =	vsel vm13, $0x33F, v5  }
0x1e: {  	v4 =	vsel vm10, $0x3F2E3141, v4;
	v5 =	vsel vm15, v6, v5;
	vm15 =	vcmask $0x2B1C  }
0x1f: {  	v6 =	vimm.s32 $0x17;
	v4 =	vsel vm9, $0x3F1878FB, v4;
	v2 =	vsel vm15, v3, v2  }
0x20: {  	v3 =	vimm.s32 $0x86670C04;
	v5 =	vsel vm9, $0x636, v5;
	v6 =	vsel vm14, $0x82A, v6  }
0x21: {  	v4 =	vsel vm8, $0x3F1512DD, v4;
	v6 =	vsel vm13, $0xE3, v6;
	v5 =	vsel vm8, $0x11F1, v5  }
0x22: {  	v3 =	vunpack.c.0.s8.s32 v3;
	v4 =	vsel vm7, $0x3F655D88, v4;
	v6 =	vsel vm12, $0x367, v6  }
0x23: {  	v5 =	vsel vm15, v7, v5;
	v7 =	vsel vm12, $0x12C, v8;
	v8 =	vimm.s32 $0x9410023  }
0x24: {  	vm15 =	vcmask $0x2318;
	v6 =	vsel vm11, $0x4D, v6;
	v7 =	vsel vm11, $0x38, v7  }
0x25: {  	v8 =	vunpack.c.0.s8.s32 v8;
	v4 =	vsel vm6, $0x3F47AC90, v4;
	v3 =	vand.u32 $0xFF, v3  }
0x26: {  	v5 =	vsel vm3, $0xD16, v5;
	v6 =	vsel vm10, $0x354, v6;
	v7 =	vsel vm10, $0xF8, v7  }
0x27: {  	s1 =	srdreg.scid;
	v4 =	vsel vm5, $0x3F336777, v4;
	v6 =	vsel vm9, $0x243, v6;
	v7 =	vsel vm9, $0x34B, v7  }
0x28: {  	s0 =	stileid.u32;
	s6 =	rddreg [dreg:$0x0];
	v6 =	vsel vm15, v8, v6;
	v8 =	vunpack.c.0.s8.s32 v9;
	v7 =	vsel vm8, $0xB7, v7  }
0x29: {  	s9 =	rddreg [dreg:$0x1];
	s12 =	sand.u32 $0x1, s1;
	s24 =	sshll.u32 s0, $0x9;
	vm15 =	vcmask $0x3328;
	v6 =	vsel vm5, $0x132, v6;
	v7 =	vsel vm7, $0x13A, v7  }
0x2a: {  	s10 =	sshrl.u32 s0, $0x1;
	s2 =	sshll.u32 s12, $0x8;
	s1 =	sand.u32 $0x200, s24;
	v6 =	vsel vm15, v8, v6;
	v7 =	vsel vm6, $0x298, v7;
	v8 =	vimm.s32 $0x4500000D  }
0x2b: {  	s11 =	sor.u32 s2, s1;
	s1 =	rddreg [dreg:$0x2];
	s2 =	simm.s32 $0x0;
	v9 =	vimm.s32 $0x2055;
	v7 =	vsel vm5, $0x2C2, v7;
	v8 =	vunpack.c.0.s8.s32 v8  }
0x2c: {  	s4 =	sshll.u32 s10, $0x12;
	[smem:$0x7FF] =	sst s2;
	v9 =	vunpack.c.0.s8.s32 v9;
	vm15 =	vcmask $0x332C;
	v7 =	vsel vm4, $0x18B, v7  }
0x2d: {  	s3 =	sor.u32 s4, s11;
	s13 =	sor.u32 $0x80, s11;
	_ =	strace $0x80000047;
	v5 =	vsel vm2, $0xA, v5;
	v7 =	vsel vm15, v8, v7;
	vm15 =	vcmask $0x700  }
0x2e: {  	s5 =	simm.s32 $0x400;
	s3 =	sshrl.u32 s3, $0x3;
	s4 =	sor.u32 s4, s13;
	v4 =	vsel vm4, $0x3F38D12E, v4;
	v8 =	vnsel vm15, $0xC19, v9;
	v9 =	vimm.s32 $0x2900001D  }
0x2f: {  	s3 =	sadd.s32 s6, s3;
	s7 =	sshrl.u32 s4, $0x3;
	s4 =	simm.s32 $0x80;
	v5 =	vsel vm0, $0x1D5, v5;
	v4 =	vsel vm3, $0x3F1CBF86, v4;
	v9 =	vunpack.c.0.s8.s32 v9  }
0x30: {  	[tilespmem:s2], [sflag:$0x1] =	stream.strided.gather [hbm4b:s3+s4], $0x8000, s5, s4, $0x38;
	v6 =	vsel vm0, $0x153, v6;
	vm15 =	vcmask $0x130C;
	v8 =	vsel vm12, $0x191, v8;
	[tilespmem:$0x10080] =	vst v63  }
0x31: {  	s6 =	sadd.s32 s6, s7;
	s7 =	simm.s32 $0x8000;
	v9 =	vsel vm15, v9, v8;
	v8 =	vsel vm12, $0x13F, v10;
	vm15 =	vcmask $0x170C  }
0x32: {  	[tilespmem:s7], [sflag:$0x1] =	stream.strided.gather [hbm4b:s6+s4], $0x8000, s5, s4, $0x38;
	v6 =	vsel vm1, $0x8DC, v6;
	v12 =	vsel vm0, $0x141, v7;
	v10 =	vsel vm15, v11, v8;
	[tilespmem:$0x10080] =	vst v63  }
0x33: {  	vm15 =	vcmask $0x3B2C;
	v8 =	vimm.f32 $4.538676440e-01;
	v11 =	vimm.f32 $7.277437450e-01  }
0x34: {  	v2 =	vsel vm15, v3, v2;
	v3 =	vsel vm2, $0x3F59F169, v4;
	v4 =	vsel vm14, $0x3F381EF3, v8  }
0x35: {  	v10 =	vsel vm8, $0x262, v10;
	v3 =	vsel vm0, $0x3F46150B, v3;
	v4 =	vsel vm13, $0x3F02AB67, v4  }
0x36: {  	v10 =	vsel vm7, $0x2A68, v10;
	v3 =	vsel vm1, $0x3F20E447, v3;
	v4 =	vsel vm12, $0x3F2929A2, v4  }
0x37: {  	v10 =	vsel vm6, $0x48B, v10;
	v8 =	vsel vm11, $0x3F2C1CAD, v4;
	v4 =	vsel vm1, $0x13, v5  }
0x38: {  	v5 =	vsel vm10, $0x3F29B593, v8;
	v8 =	vsel vm14, $0x3EEE4129, v11;
	v11 =	vimm.f32 $5.358533860e-01  }
0x39: {  	v10 =	vsel vm5, $0xF6, v10;
	v8 =	vsel vm13, $0x3F14BE51, v8;
	v11 =	vsel vm14, $0x3EECBF8C, v11  }
0x3a: {  	v10 =	vsel vm4, $0x189, v10;
	v8 =	vsel vm12, $0x3F020E6B, v8;
	v11 =	vsel vm13, $0x3F31EF4E, v11  }
0x3b: {  	s8 =	simm.s32 $0x1;
	v5 =	vsel vm9, $0x3EF4E3D5, v5;
	v8 =	vsel vm11, $0x3F25967F, v8;
	v11 =	vsel vm12, $0x3F10AAD6, v11  }
0x3c: {  	_ =	swait.ge [sflag:s8], $0x8000;
	v10 =	vsel vm15, v14, v10;
	v8 =	vsel vm10, $0x3F0257FA, v8;
	v11 =	vsel vm11, $0x3F2ADD40, v11  }
0x3d: {  	[sflag:s8] =	ssyncset.done $0x0;
	v14 =	vimm.f32 $6.303257340e-01;
	v8 =	vsel vm9, $0x3F077A12, v8;
	v11 =	vsel vm10, $0x3F137031, v11  }
0x3e: {  	[sflag:s8] =	ssyncadd.s32 $0xFFFF8000;
	vm15 =	vcmask $0x2F20;
	v8 =	vsel vm8, $0x3F2860A2, v8;
	v11 =	vsel vm9, $0x3F027B74, v11  }
0x3f: {  	v5 =	vsel vm8, $0x3EDC060B, v5;
	v8 =	vsel vm7, $0x3F4B5913, v8;
	v11 =	vsel vm8, $0x3F17F7C5, v11  }
0x40: {  	v14 =	vsel vm14, $0x3EE80875, v14;
	v8 =	vsel vm6, $0x3F32E643, v8;
	v11 =	vsel vm7, $0x3F1002C6, v11  }
0x41: {  	v5 =	vsel vm7, $0x3F20BCE0, v5;
	v8 =	vsel vm5, $0x3F1061C7, v8;
	v11 =	vsel vm6, $0x3F05A274, v11  }
0x42: {  	v14 =	vsel vm13, $0x3F3268F3, v14;
	v8 =	vsel vm4, $0x3F3B18D4, v8;
	v11 =	vsel vm5, $0x3F04D14D, v11  }
0x43: {  	v5 =	vsel vm6, $0x3F4202FA, v5;
	v8 =	vsel vm3, $0x3F236AE2, v8;
	v11 =	vsel vm4, $0x3F0CC043, v11  }
0x44: {  	v14 =	vsel vm12, $0x3F0FC8BD, v14;
	v8 =	vsel vm2, $0x3F4D8075, v8;
	v11 =	vsel vm3, $0x3F2763BC, v11  }
0x45: {  	v16 =	vld.idx.msk [tilespmem:v2+s2+$0x0], $0xffff;
	v5 =	vsel vm5, $0x3F2F585D, v5;
	v8 =	vsel vm0, $0x3F0EEA28, v8;
	v11 =	vsel vm2, $0x3F449EA2, v11  }
0x46: {  	v14 =	vsel vm11, $0x3F2A46A7, v14;
	v7 =	vsel vm1, $0x3EEC4DA2, v8;
	v11 =	vsel vm0, $0x3F0FB1CC, v11  }
0x47: {  	v8 =	vsel vm1, $0x6B, v12;
	v12 =	vsel vm9, $0x14C, v9;
	v9 =	vsel vm1, $0x3F20491C, v11  }
0x48: {  	v11 =	vsel vm8, $0x15, v12;
	v12 =	vsel vm14, $0x3F23FA97, v13;
	v13 =	vimm.s32 $0x410  }
0x49: {  	v5 =	vsel vm4, $0x3F43448E, v5;
	v14 =	vsel vm10, $0x3F2FBFAF, v14;
	v13 =	vsel vm14, $0x2D, v13  }
0x4a: {  	v16 =	vmul.f32 v3, v16;
	v5 =	vsel vm3, $0x3EE32F34, v5;
	v13 =	vsel vm13, $0x220, v13  }
0x4b: {  	v14 =	vsel vm9, $0x3F26EB2F, v14;
	v12 =	vsel vm13, $0x3F347681, v12;
	v13 =	vsel vm12, $0x13D, v13  }
0x4c: {  	v5 =	vsel vm2, $0x3F496B46, v5;
	v12 =	vsel vm12, $0x3F0C8A16, v12;
	v13 =	vsel vm11, $0x3A8, v13  }
0x4d: {  	v11 =	vsel vm7, $0xF9, v11;
	v12 =	vsel vm11, $0x3F3029AC, v12;
	v13 =	vsel vm10, $0xAF7, v13  }
0x4e: {  	v11 =	vsel vm6, $0x19A, v11;
	v12 =	vsel vm10, $0x3F3630EF, v12;
	v13 =	vsel vm9, $0x1484, v13  }
0x4f: {  	v11 =	vsel vm5, $0x21, v11;
	v12 =	vsel vm9, $0x3F0F3661, v12;
	v13 =	vsel vm8, $0x9B, v13  }
0x50: {  	v11 =	vsel vm4, $0x230, v11;
	v12 =	vsel vm8, $0x3F3BEE37, v12;
	v13 =	vsel vm7, $0x7DB9, v13  }
0x51: {  	v11 =	vsel vm3, $0x49, v11;
	v12 =	vsel vm7, $0x3F136110, v12;
	v13 =	vsel vm15, v15, v13;
	v15 =	vld.idx.msk [tilespmem:v0+s2+$0x0], $0xffff  }
0x52: {  	v14 =	vsel vm8, $0x3F06C5C2, v14;
	v11 =	vsel vm2, $0x351, v11;
	v12 =	vsel vm6, $0x3F0C3A77, v12  }
0x53: {  	v5 =	vsel vm0, $0x3F0A5BCE, v5;
	v11 =	vsel vm0, $0x15F, v11;
	v12 =	vsel vm5, $0x3F33ECCB, v12  }
0x54: {  	v14 =	vsel vm7, $0x3EC94341, v14;
	v11 =	vsel vm1, $0x31, v11;
	v12 =	vsel vm4, $0x3F07EDE5, v12  }
0x55: {  	v18 =	vsel vm3, $0x3F267642, v12;
	v12 =	vsel vm6, $0x3EFCB0D8, v14;
	v14 =	vsel vm14, $0x3F2E9144, v17;
	v17 =	vld.idx.msk [tilespmem:v4+s2+$0x0], $0xffff  }
0x56: {  	v13 =	vsel vm2, $0xED5, v13;
	v14 =	vsel vm13, $0x3F0852D3, v14;
	v15 =	vmul.f32 v1, v15  }
0x57: {  	v19 =	vld.idx.msk [tilespmem:v6+s2+$0x0], $0xffff;
	v5 =	vsel vm1, $0x3F3DBAF4, v5;
	v13 =	vsel vm0, $0x5EC, v13;
	v14 =	vsel vm12, $0x3F0FDFD4, v14  }
0x58: {  	v12 =	vsel vm5, $0x3F138EA6, v12;
	v14 =	vsel vm11, $0x3F011F73, v14;
	v15 =	vadd.f32 $0.0e+00, v15  }
0x59: {  	v20 =	vsel vm4, $0x3F0CD287, v12;
	v12 =	vsel vm1, $0x1DE, v13;
	v13 =	vsel vm10, $0x3EE747B1, v14;
	v14 =	vld.idx.msk [tilespmem:v8+s2+$0x0], $0xffff  }
0x5a: {  	v13 =	vsel vm9, $0x3ED908B2, v13;
	v15 =	vadd.f32 v16, v15;
	v16 =	vmul.f32 v5, v17  }
0x5b: {  	v13 =	vsel vm8, $0x3F1A7F71, v13;
	v17 =	vsel vm2, $0x3F0263C2, v18;
	v18 =	vsel vm3, $0x3F1F8FCF, v20;
	v20 =	vld.idx.msk [tilespmem:v11+s2+$0x0], $0xffff  }
0x5c: {  	v13 =	vsel vm7, $0x3EB1B5A0, v13;
	v15 =	vadd.f32 v16, v15;
	v16 =	vmul.f32 v7, v19  }
0x5d: {  	v17 =	vsel vm0, $0x3F0E6B68, v17;
	v18 =	vsel vm2, $0x3F1C1160, v18;
	v13 =	vsel vm6, $0x3F2D77CF, v13;
	v19 =	vld.idx.msk [tilespmem:v10+s2+$0x0], $0xffff  }
0x5e: {  	v21 =	vsel vm5, $0x3F16DB77, v13;
	v14 =	vmul.f32 v9, v14;
	v15 =	vadd.f32 v16, v15  }
0x5f: {  	v13 =	vsel vm1, $0x3F2D1E2D, v17;
	v17 =	vsel vm4, $0x3F1D19D0, v21;
	v16 =	vsel vm0, $0x3F310640, v18;
	v18 =	vld.idx.msk [tilespmem:v12+s2+$0x0], $0xffff  }
0x60: {  	v17 =	vsel vm3, $0x3F1DB56E, v17;
	v20 =	vmul.f32 v13, v20;
	v15 =	vadd.f32 v14, v15  }
0x61: {  	v14 =	vsel vm1, $0x3F27A171, v16;
	v16 =	vsel vm2, $0x3EE05207, v17  }
0x62: {  	v16 =	vsel vm0, $0x3EF6105F, v16;
	v19 =	vmul.f32 v14, v19;
	v17 =	vadd.f32 v20, v15  }
0x63: {  	v15 =	vsel vm1, $0x3F0A18A2, v16  }
0x64: {  	v16 =	vadd.f32 v19, v17;
	v17 =	vmul.f32 v15, v18;
	_ =	sdelay $0x1  }
0x65: {  	v16 =	vadd.f32 v17, v16;
	_ =	sdelay $0x1  }
0x66: {  	(xrf2) =	vadd.scan.msk.f32 $0xffff, v16  }
0x67: {  	v22 =	vimm.s32 $0x8C19  }
0x68: {  	v22 =	vsel vm14, $0x8055, v22  }
0x69: {  	v22 =	vsel vm13, $0x8020, v22  }
0x6a: {  	v22 =	vsel vm12, $0x8191, v22;
	v18 =	vld [tilespmem:$0x7FF0]  }
0x6b: {  	v23 =	vimm.s32 $0x8064;
	v22 =	vsel vm11, $0x8029, v22  }
0x6c: {  	v24 =	vimm.s32 $0x8410;
	v22 =	vsel vm10, $0x801D, v22;
	v20 =	vimm.s32 $0x8017  }
0x6d: {  	v22 =	vsel vm9, $0x814C, v22;
	v21 =	vimm.s32 $0x81FF;
	v20 =	vsel vm14, $0x882A, v20  }
0x6e: {  	v22 =	vsel vm8, $0x8015, v22;
	v21 =	vsel vm14, $0x88B2, v21;
	v19 =	vimm.s32 $0x8A76  }
0x6f: {  	v21 =	vsel vm13, $0x8025, v21;
	v19 =	vsel vm14, $0x801A, v19;
	(v2sf) =	vpush v18, $0xF  }
0x70: {  	v21 =	vsel vm12, $0x812C, v21;
	v18 =	vsel vm13, $0x833F, v19;
	v19 =	vsel vm13, $0x80E3, v20;
	v20, _, _ =	vpop (xrf2)  }
0x71: {  	v22 =	vsel vm7, $0x80F9, v22;
	v21 =	vsel vm11, $0x8038, v21;
	(v2sf) =	vpush v20, $0xF  }
0x72: {  	v23 =	vsel vm14, $0x8A9E, v23;
	v22 =	vsel vm6, $0x819A, v22;
	v21 =	vsel vm10, $0x80F8, v21  }
0x73: {  	v24 =	vsel vm14, $0x802D, v24;
	v22 =	vsel vm5, $0x8021, v22;
	v21 =	vsel vm9, $0x834B, v21  }
0x74: {  	v22 =	vsel vm4, $0x8230, v22;
	v21 =	vsel vm8, $0x80B7, v21;
	v17 =	vimm.s32 $0x8119  }
0x75: {  	v22 =	vsel vm3, $0x8049, v22;
	v21 =	vsel vm7, $0x813A, v21;
	v17 =	vsel vm14, $0x8389, v17  }
0x76: {  	v21 =	vsel vm6, $0x8298, v21;
	v16 =	vimm.s32 $0x801F;
	v17 =	vsel vm13, $0x8096, v17  }
0x77: {  	v21 =	vsel vm5, $0x82C2, v21;
	v16 =	vsel vm14, $0x8012, v16;
	v17 =	vsel vm12, $0x8E0A, v17  }
0x78: {  	v16 =	vsel vm13, $0x8001, v16;
	v18 =	vsel vm12, $0x803E, v18;
	v19 =	vsel vm12, $0x8367, v19  }
0x79: {  	v17 =	vsel vm11, $0x8010, v17;
	v16 =	vsel vm12, $0x804A, v16;
	v18 =	vsel vm11, $0x8034, v18  }
0x7a: {  	v19 =	vsel vm11, $0x804D, v19;
	v17 =	vsel vm10, $0x802E, v17;
	v16 =	vsel vm11, $0x8000, v16  }
0x7b: {  	v18 =	vsel vm10, $0x803C, v18;
	v19 =	vsel vm10, $0x8354, v19;
	v17 =	vsel vm9, $0x80B1, v17  }
0x7c: {  	v16 =	vsel vm10, $0x8006, v16;
	v18 =	vsel vm9, $0x8636, v18;
	v19 =	vsel vm9, $0x8243, v19  }
0x7d: {  	v17 =	vsel vm8, $0x80DE, v17;
	v16 =	vsel vm9, $0x8042, v16;
	v18 =	vsel vm8, $0x91F1, v18  }
0x7e: {  	v19 =	vsel vm8, $0x8041, v19;
	v17 =	vsel vm7, $0x8002, v17;
	v20 =	vsel vm13, $0x8024, v23;
	s14 =	spop (v2sf)  }
0x7f: {  	v16 =	vsel vm8, $0x8005, v16;
	v23 =	vsel vm13, $0x8220, v24;
	v20 =	vsel vm12, $0x813F, v20;
	s14 =	smul.f32 $7.967820730e+01, s14  }
0x80: {  	v18 =	vsel vm7, $0x8068, v18;
	v23 =	vsel vm12, $0x813D, v23;
	v20 =	vsel vm11, $0x803A, v20;
	s15 =	spop (v2sf)  }
0x81: {  	v19 =	vsel vm7, $0x8009, v19;
	v23 =	vsel vm11, $0x83A8, v23;
	v20 =	vsel vm10, $0x802A, v20;
	s14 =	ssub.f32 s14, s15  }
0x82: {  	v16 =	vsel vm7, $0x806A, v16;
	v23 =	vsel vm10, $0x8AF7, v23;
	v20 =	vsel vm9, $0x8047, v20  }
0x83: {  	v16 =	vsel vm6, $0x802C, v16;
	v23 =	vsel vm9, $0x9484, v23;
	v20 =	vsel vm8, $0x8262, v20;
	s15 =	smul.f32 $7.812500000e-03, s14  }
0x84: {  	s25 =	sshll.u32 s10, $0xA;
	v16 =	vsel vm5, $0x8081, v16;
	v23 =	vsel vm8, $0x809B, v23;
	v20 =	vsel vm7, $0xAA68, v20  }
0x85: {  	s10 =	sor.u32 s25, s11;
	v23 =	vsel vm7, $0xFDB9, v23;
	vm7 =	vcmask $0x3B00;
	v50 =	vmov s15  }
0x86: {  	s26 =	sadd.s32 $0x400, s9;
	s28 =	sshrl.u32 s10, $0x3;
	v17 =	vsel vm6, $0x800B, v17;
	v16 =	vsel vm4, $0x80BD, v16;
	v24 =	vsel vm7, $0x0, v50  }
0x87: {  	s11 =	simm.s32 $0x10000;
	s10 =	simm.s32 $0x2;
	s9 =	sadd.s32 s26, s28;
	v18 =	vsel vm6, $0x800F, v18;
	v17 =	vsel vm5, $0x8022, v17;
	v16 =	vsel vm3, $0x8014, v16;
	[tilespmem:$0x10000] =	vst v24  }
0x88: {  	v19 =	vsel vm6, $0x8023, v19;
	v17 =	vsel vm4, $0x8019, v17;
	v16 =	vsel vm2, $0x801E, v16;
	[hbm4b:s9+s2] =	stream.linear.scatter [tilespmem:s11], [sflag:$0x2], $0x80, $0x38;
	[tilespmem:$0x10080] =	vst v63  }
0x89: {  	v18 =	vsel vm5, $0x802B, v18;
	v17 =	vsel vm3, $0x8086, v17;
	v16 =	vsel vm0, $0x8007, v16;
	_ =	swait.ge [sflag:s10], $0x80  }
0x8a: {  	v18 =	vsel vm4, $0x800E, v18;
	v17 =	vsel vm2, $0x8004, v17;
	v16 =	vsel vm1, $0x8003, v16;
	[sflag:s10] =	ssyncset.done $0x0  }
0x8b: {  	v19 =	vsel vm5, $0x8132, v19;
	v18 =	vsel vm3, $0x8D16, v18;
	v17 =	vsel vm0, $0x800C, v17;
	[sflag:s10] =	ssyncadd.s32 $0xFFFFFF80  }
0x8c: {  	v19 =	vsel vm4, $0x8016, v19;
	v18 =	vsel vm2, $0x800A, v18;
	v17 =	vsel vm1, $0x8067, v17;
	_ =	swait.ge [sflag:s8], $0x8000  }
0x8d: {  	v21 =	vsel vm4, $0x818B, v21;
	v19 =	vsel vm3, $0x8058, v19;
	v18 =	vsel vm0, $0x81D5, v18;
	[sflag:s8] =	ssyncset.done $0x0  }
0x8e: {  	v21 =	vsel vm3, $0x8045, v21;
	v19 =	vsel vm2, $0x8008, v19;
	v18 =	vsel vm1, $0x8013, v18;
	[sflag:s8] =	ssyncadd.s32 $0xFFFF8000  }
0x8f: {  	v21 =	vsel vm2, $0x800D, v21;
	v19 =	vsel vm0, $0x8153, v19;
	v20 =	vsel vm6, $0x848B, v20;
	v51 =	vld.idx.msk [tilespmem:v16+s2+$0x0], $0xffff  }
0x90: {  	v19 =	vsel vm1, $0x88DC, v19;
	v23 =	vsel vm6, $0x8030, v23;
	v20 =	vsel vm5, $0x80F6, v20  }
0x91: {  	v21 =	vsel vm0, $0x8141, v21;
	v23 =	vsel vm5, $0x80C5, v23;
	v25 =	vsel vm4, $0x8189, v20;
	v26 =	vld.idx.msk [tilespmem:v17+s2+$0x0], $0xffff  }
0x92: {  	v23 =	vsel vm4, $0x8083, v23;
	v20 =	vsel vm1, $0x806B, v21;
	v21 =	vsel vm2, $0x8351, v22  }
0x93: {  	v22 =	vsel vm3, $0x8070, v25;
	v23 =	vsel vm3, $0x807E, v23;
	v21 =	vsel vm0, $0x815F, v21;
	v52 =	vld.idx.msk [tilespmem:v18+s2+$0x0], $0xffff  }
0x94: {  	v21 =	vsel vm1, $0x8031, v21;
	v22 =	vsel vm2, $0x808C, v22;
	v24 =	vmul.f32 v1, v51  }
0x95: {  	v23 =	vsel vm2, $0x8ED5, v23;
	v22 =	vsel vm0, $0x8027, v22;
	v27 =	vld.idx.msk [tilespmem:v19+s2+$0x0], $0xffff  }
0x96: {  	v22 =	vsel vm1, $0x8044, v22;
	v26 =	vmul.f32 v3, v26;
	v24 =	vadd.f32 $0.0e+00, v24  }
0x97: {  	v23 =	vsel vm0, $0x85EC, v23;
	v28 =	vld.idx.msk [tilespmem:v20+s2+$0x0], $0xffff  }
0x98: {  	v23 =	vsel vm1, $0x81DE, v23;
	v25 =	vmul.f32 v5, v52;
	v24 =	vadd.f32 v26, v24  }
0x99: {  	v53 =	vld.idx.msk [tilespmem:v21+s2+$0x0], $0xffff  }
0x9a: {  	v54 =	vmul.f32 v7, v27;
	v24 =	vadd.f32 v25, v24  }
0x9b: {  	v55 =	vld.idx.msk [tilespmem:v22+s2+$0x0], $0xffff  }
0x9c: {  	v56 =	vmul.f32 v9, v28;
	v24 =	vadd.f32 v54, v24  }
0x9d: {  	v57 =	vld.idx.msk [tilespmem:v23+s2+$0x0], $0xffff  }
0x9e: {  	v58 =	vmul.f32 v13, v53;
	v24 =	vadd.f32 v56, v24;
	_ =	sdelay $0x1  }
0x9f: {  	v59 =	vmul.f32 v14, v55;
	v24 =	vadd.f32 v58, v24;
	_ =	sdelay $0x1  }
0xa0: {  	v60 =	vmul.f32 v15, v57;
	v24 =	vadd.f32 v59, v24;
	_ =	sdelay $0x1  }
0xa1: {  	v24 =	vadd.f32 v60, v24;
	_ =	sdelay $0x1  }
0xa2: {  	(xrf2) =	vadd.scan.msk.f32 $0xffff, v24;
	_ =	sdelay $0x3  }
0xa3: {  	v61 =	vld [tilespmem:$0xFFF0];
	_ =	sdelay $0x4  }
0xa4: {  	(v2sf) =	vpush v61, $0xF  }
0xa5: {  	v62, _, _ =	vpop (xrf2)  }
0xa6: {  	(v2sf) =	vpush v62, $0xF;
	_ =	sdelay $0xc  }
0xa7: {  	s16 =	spop (v2sf)  }
0xa8: {  	s16 =	smul.f32 $7.967820730e+01, s16  }
0xa9: {  	s17 =	spop (v2sf)  }
0xaa: {  	s12 =	ssub.s32 $0x2, s12;
	s16 =	ssub.f32 s16, s17  }
0xab: {  	s29 =	sshrl.u32 s12, $0x1  }
0xac: {  	s14 =	ssub.s32 s12, s29;
	s16 =	smul.f32 $7.812500000e-03, s16  }
0xad: {  	s31 =	smax.u32 s14, $0x1  }
0xae: {  	s13 =	sor.u32 s25, s13;
	p0 =	sne.s32 s31, $0x1;
	v63 =	vmov s16  }
.Ltmp0:
0xaf: {  	s30 =	sshrl.u32 s13, $0x3;
	v24 =	vsel vm7, $0x0, v63;
	(pc) =	sbr.rel @!p0 .LBB2_2-.Ltmp0, $4  }
0xb0: {  	s12 =	sadd.s32 s26, s30;
	[tilespmem:$0x10000] =	vst v24  }
0xb1: {  	[hbm4b:s12+s2] =	stream.linear.scatter [tilespmem:s11], [sflag:$0x2], $0x80, $0x38;
	[tilespmem:$0x10080] =	vst v63  }
0xb2: {  	_ =	swait.ge [sflag:s10], $0x80  }
0xb3: {  	s13 =	sadd.s32 $0xFFFFFFFF, s31;
	[sflag:s10] =	ssyncset.done $0x0  }
.LBB2_1:
0xb4: {  	p0 =	sne.s32 s13, $0x1;
	s13 =	sadd.s32 $0xFFFFFFFF, s13;
	[sflag:s10] =	ssyncadd.s32 $0xFFFFFF80  }
0xb5: {  	[tilespmem:s2], [sflag:$0x1] =	stream.strided.gather [hbm4b:s3+s4], $0x8000, s5, s4, $0x38;
	[tilespmem:$0x10080] =	vst v63  }
0xb6: {  	_ = 	snop  }
0xb7: {  	[tilespmem:s7], [sflag:$0x1] =	stream.strided.gather [hbm4b:s6+s4], $0x8000, s5, s4, $0x38;
	[tilespmem:$0x10080] =	vst v63  }
0xb8: {  	_ =	swait.ge [sflag:s8], $0x8000  }
0xb9: {  	[sflag:s8] =	ssyncset.done $0x0  }
0xba: {  	[sflag:s8] =	ssyncadd.s32 $0xFFFF8000  }
0xbb: {  	v24 =	vld.idx.msk [tilespmem:v0+s2+$0x0], $0xffff  }
0xbc: {  	v25 =	vld [tilespmem:$0x7FF0]  }
0xbd: {  	v26 =	vld.idx.msk [tilespmem:v2+s2+$0x0], $0xffff;
	_ =	sdelay $0x1  }
0xbe: {  	v27 =	vld.idx.msk [tilespmem:v4+s2+$0x0], $0xffff;
	_ =	sdelay $0x1  }
0xbf: {  	v24 =	vmul.f32 v1, v24;
	v28 =	vld.idx.msk [tilespmem:v6+s2+$0x0], $0xffff;
	(v2sf) =	vpush v25, $0xF;
	_ =	sdelay $0x1  }
0xc0: {  	v24 =	vadd.f32 $0.0e+00, v24;
	v25 =	vmul.f32 v3, v26;
	v26 =	vld.idx.msk [tilespmem:v8+s2+$0x0], $0xffff;
	_ =	sdelay $0x1  }
0xc1: {  	v24 =	vadd.f32 v25, v24;
	v25 =	vmul.f32 v5, v27;
	v27 =	vld.idx.msk [tilespmem:v11+s2+$0x0], $0xffff;
	_ =	sdelay $0x1  }
0xc2: {  	v24 =	vadd.f32 v25, v24;
	v25 =	vmul.f32 v7, v28;
	v28 =	vld.idx.msk [tilespmem:v10+s2+$0x0], $0xffff;
	_ =	sdelay $0x1  }
0xc3: {  	v24 =	vadd.f32 v25, v24;
	v25 =	vmul.f32 v9, v26;
	v26 =	vld.idx.msk [tilespmem:v12+s2+$0x0], $0xffff;
	_ =	sdelay $0x1  }
0xc4: {  	v24 =	vadd.f32 v25, v24;
	v25 =	vmul.f32 v13, v27;
	_ =	sdelay $0x1  }
0xc5: {  	v24 =	vadd.f32 v25, v24;
	v25 =	vmul.f32 v14, v28;
	_ =	sdelay $0x1  }
0xc6: {  	v24 =	vadd.f32 v25, v24;
	v25 =	vmul.f32 v15, v26  }
0xc7: {  	s14 =	spop (v2sf)  }
0xc8: {  	v24 =	vadd.f32 v25, v24;
	_ =	sdelay $0x1  }
0xc9: {  	(xrf2) =	vadd.scan.msk.f32 $0xffff, v24;
	_ =	sdelay $0x9  }
0xca: {  	v24, _, _ =	vpop (xrf2)  }
0xcb: {  	(v2sf) =	vpush v24, $0xF;
	_ =	sdelay $0xd  }
0xcc: {  	s14 =	smul.f32 $7.967820730e+01, s14  }
0xcd: {  	s15 =	spop (v2sf)  }
0xce: {  	s14 =	ssub.f32 s14, s15;
	_ =	sdelay $0x1  }
0xcf: {  	s14 =	smul.f32 $7.812500000e-03, s14;
	_ =	sdelay $0x1  }
0xd0: {  	v24 =	vmov s14  }
0xd1: {  	v24 =	vsel vm7, $0x0, v24  }
0xd2: {  	[tilespmem:$0x10000] =	vst v24  }
0xd3: {  	[hbm4b:s9+s2] =	stream.linear.scatter [tilespmem:s11], [sflag:$0x2], $0x80, $0x38;
	[tilespmem:$0x10080] =	vst v63  }
0xd4: {  	_ =	swait.ge [sflag:s10], $0x80  }
0xd5: {  	[sflag:s10] =	ssyncset.done $0x0  }
0xd6: {  	[sflag:s10] =	ssyncadd.s32 $0xFFFFFF80  }
0xd7: {  	_ =	swait.ge [sflag:s8], $0x8000  }
0xd8: {  	[sflag:s8] =	ssyncset.done $0x0  }
0xd9: {  	[sflag:s8] =	ssyncadd.s32 $0xFFFF8000  }
0xda: {  	v24 =	vld.idx.msk [tilespmem:v16+s2+$0x0], $0xffff  }
0xdb: {  	v25 =	vld [tilespmem:$0xFFF0]  }
0xdc: {  	v26 =	vld.idx.msk [tilespmem:v17+s2+$0x0], $0xffff;
	_ =	sdelay $0x1  }
0xdd: {  	v27 =	vld.idx.msk [tilespmem:v18+s2+$0x0], $0xffff;
	_ =	sdelay $0x1  }
0xde: {  	v24 =	vmul.f32 v1, v24;
	v28 =	vld.idx.msk [tilespmem:v19+s2+$0x0], $0xffff;
	(v2sf) =	vpush v25, $0xF;
	_ =	sdelay $0x1  }
0xdf: {  	v24 =	vadd.f32 $0.0e+00, v24;
	v25 =	vmul.f32 v3, v26;
	v26 =	vld.idx.msk [tilespmem:v20+s2+$0x0], $0xffff;
	_ =	sdelay $0x1  }
0xe0: {  	v24 =	vadd.f32 v25, v24;
	v25 =	vmul.f32 v5, v27;
	v27 =	vld.idx.msk [tilespmem:v21+s2+$0x0], $0xffff;
	_ =	sdelay $0x1  }
0xe1: {  	v24 =	vadd.f32 v25, v24;
	v25 =	vmul.f32 v7, v28;
	v28 =	vld.idx.msk [tilespmem:v22+s2+$0x0], $0xffff;
	_ =	sdelay $0x1  }
0xe2: {  	v24 =	vadd.f32 v25, v24;
	v25 =	vmul.f32 v9, v26;
	v26 =	vld.idx.msk [tilespmem:v23+s2+$0x0], $0xffff;
	_ =	sdelay $0x1  }
0xe3: {  	v24 =	vadd.f32 v25, v24;
	v25 =	vmul.f32 v13, v27;
	_ =	sdelay $0x1  }
0xe4: {  	v24 =	vadd.f32 v25, v24;
	v25 =	vmul.f32 v14, v28;
	_ =	sdelay $0x1  }
0xe5: {  	v24 =	vadd.f32 v25, v24;
	v25 =	vmul.f32 v15, v26  }
0xe6: {  	s14 =	spop (v2sf)  }
0xe7: {  	v24 =	vadd.f32 v25, v24;
	_ =	sdelay $0x1  }
0xe8: {  	(xrf2) =	vadd.scan.msk.f32 $0xffff, v24;
	_ =	sdelay $0x9  }
0xe9: {  	v24, _, _ =	vpop (xrf2)  }
0xea: {  	(v2sf) =	vpush v24, $0xF;
	_ =	sdelay $0xd  }
0xeb: {  	s14 =	smul.f32 $7.967820730e+01, s14  }
0xec: {  	s15 =	spop (v2sf)  }
0xed: {  	s14 =	ssub.f32 s14, s15;
	_ =	sdelay $0x1  }
0xee: {  	s14 =	smul.f32 $7.812500000e-03, s14;
	_ =	sdelay $0x1  }
0xef: {  	v24 =	vmov s14  }
.Ltmp1:
0xf0: {  	v24 =	vsel vm7, $0x0, v24;
	(pc) =	sbr.rel @p0 .LBB2_1-.Ltmp1, $4  }
0xf1: {  	[tilespmem:$0x10000] =	vst v24  }
0xf2: {  	[hbm4b:s12+s2] =	stream.linear.scatter [tilespmem:s11], [sflag:$0x2], $0x80, $0x38;
	[tilespmem:$0x10080] =	vst v63  }
0xf3: {  	_ =	swait.ge [sflag:s10], $0x80  }
0xf4: {  	[sflag:s10] =	ssyncset.done $0x0  }
.LBB2_2:
0xf5: {  	[sflag:s10] =	ssyncadd.s32 $0xFFFFFF80  }
0xf6: {  	_ =	sfence.sel $0x180000  }
0xf7: {  	[bflag:$0x0] =	sbarrier.arrive $0xFFFF  }
0xf8: {  	p0 =	sne.s32 s0, $0x0;
	_ =	strace $0x90000047  }
0xf9: {  	s0 =	sadd.s32 @!p0 $0x100000, s1;
	[bflag:$0x2] =	sbarrier.arrive $0xFFFF  }
0xfa: {  	[sflag:s0] =	ssyncadd.tile.s32 @!p0 $0x1;
	_ =	shalt  }
.Lfunc_end2:
_tile_overlayer_lowered:
.L_overlay_start_2:
0xfb: {  	(tag) =	ssettag $0x2  }
0xfc: {  	s0 =	rddreg [dreg:$0x0];
	s2 =	stileid.u32  }
0xfd: {  	s1 =	rddreg [dreg:$0x1];
	p0 =	sne.s32 s2, $0x0  }
0xfe: {  	s3 =	rddreg [dreg:$0x2];
	[bflag:$0x3] =	sbarrier.arrive $0xFFFF;
	s2 =	simm.s32 @!p0 $0x1C02  }
0xff: {  	[timem:s3], [sflag:s2] =	dma.local @!p0 [hbm:s0], s1  }
0x100: {  	s0 =	simm.s32 @!p0 $0x2  }
0x101: {  	_ =	swait.ge @!p0 [sflag:s0], s1  }
0x102: {  	s1 =	ssub.s32 @!p0 $0x0, s1;
	[sflag:s0] =	ssyncset.done @!p0 $0x0  }
0x103: {  	[sflag:s0] =	ssyncadd.s32 @!p0 s1  }
0x104: {  	[bflag:$0x3] =	sbarrier.arrive $0xFFFF  }
0x105: {  	_ =	shalt  }

</sc_bundles>
